<compile_context>
chip_gen: v7x
topology: tpu7x:2x2x1
jax: 0.10.2.dev20260603
libtpu: 0.0.44.dev20260713+nightly
codegen_flags: <defaults>
</compile_context>

<pallas_src>
import functools

import jax
import jax.numpy as jnp
from jax import lax
from jax.experimental import pallas as pl
from jax.experimental.pallas import tpu as pltpu
from jax.experimental.pallas import tpu_sc as plsc

R = 48
C = 32
N = R * R * R
PLANE = R * R
TW = 4 * C

P_PAD = 102400
IDX_TOTAL = 2 * P_PAD


def _stencil_kernel(x_ref, xm_ref, xp_ref, w_ref, b_ref, o_ref):
    z = pl.program_id(0)
    plane = x_ref[...]

    zm = xm_ref[...] * jnp.where(z > 0, 1.0, 0.0)
    zp = xp_ref[...] * jnp.where(z < R - 1, 1.0, 0.0)

    zero_row = jnp.zeros((1, C), jnp.float32)
    zero_yrow = jnp.zeros((R, C), jnp.float32)

    ym = jnp.concatenate([zero_yrow, plane[: PLANE - R, :]], axis=0)
    yp = jnp.concatenate([plane[R:, :], zero_yrow], axis=0)

    rowidx = lax.broadcasted_iota(jnp.int32, (PLANE, 1), 0)
    xcoord = rowidx % R
    xm = jnp.concatenate([zero_row, plane[: PLANE - 1, :]], axis=0)
    xm = jnp.where(xcoord > 0, xm, 0.0)
    xp = jnp.concatenate([plane[1:, :], zero_row], axis=0)
    xp = jnp.where(xcoord < R - 1, xp, 0.0)

    agg = zm + zp + ym + yp + xm + xp

    ycoord = rowidx // R
    deg = ((xcoord > 0).astype(jnp.float32) + (xcoord < R - 1).astype(jnp.float32)
           + (ycoord > 0).astype(jnp.float32) + (ycoord < R - 1).astype(jnp.float32)
           + jnp.where(z > 0, 1.0, 0.0) + jnp.where(z < R - 1, 1.0, 0.0))

    feat = plane + agg / deg
    h = jnp.dot(feat, w_ref[...], preferred_element_type=jnp.float32) + b_ref[...]
    h = jnp.maximum(h, 0.0)

    def shifted(k):
        return jnp.concatenate([h[k:, :], jnp.zeros((k, C), jnp.float32)], axis=0)

    o_ref[...] = jnp.concatenate([h, shifted(1), shifted(R), shifted(R + 1)], axis=1)


def _run_stencil(xt, Wg, bg):
    return pl.pallas_call(
        _stencil_kernel,
        grid=(R,),
        in_specs=[
            pl.BlockSpec((PLANE, C), lambda z: (z, 0)),
            pl.BlockSpec((PLANE, C), lambda z: (jnp.maximum(z - 1, 0), 0)),
            pl.BlockSpec((PLANE, C), lambda z: (jnp.minimum(z + 1, R - 1), 0)),
            pl.BlockSpec((C, C), lambda z: (0, 0)),
            pl.BlockSpec((1, C), lambda z: (0, 0)),
        ],
        out_specs=pl.BlockSpec((PLANE, TW), lambda z: (z, 0)),
        out_shape=jax.ShapeDtypeStruct((N, TW), jnp.float32),
    )(xt, xt, xt, Wg, bg.reshape(1, C))



_PBL = 4096

def _coef_kernel(g_ref, idx_ref, w_ref):
    g = g_ref[...]
    f = (g + 1.0) * (0.5 * (R - 1))
    c0 = jnp.clip(jnp.floor(f), 0.0, R - 1.0)
    w = f - c0

    x0 = c0[0:1, :]
    y0 = c0[1:2, :]
    z0 = c0[2:3, :]
    z1 = jnp.clip(z0 + 1.0, 0.0, R - 1.0)

    idx0 = (z0 * R + y0) * R + x0
    idx1 = (z1 * R + y0) * R + x0
    idx_ref[...] = jnp.concatenate([idx0, idx1], axis=0).astype(jnp.int32)

    wx = w[0:1, :]
    wy = w[1:2, :]
    wz = w[2:3, :]
    rows = [1.0 - wz, wz]
    for wyc in (1.0 - wy, wy):
        for wxc in (1.0 - wx, wx):
            rows.append(wyc * wxc)
    w_ref[...] = jnp.concatenate(rows, axis=0)


def _run_coef(g3):
    return pl.pallas_call(
        _coef_kernel,
        grid=(P_PAD // _PBL,),
        in_specs=[pl.BlockSpec((3, _PBL), lambda i: (0, i))],
        out_specs=[
            pl.BlockSpec((2, _PBL), lambda i: (0, i)),
            pl.BlockSpec((6, _PBL), lambda i: (0, i)),
        ],
        out_shape=[
            jax.ShapeDtypeStruct((2, P_PAD), jnp.int32),
            jax.ShapeDtypeStruct((6, P_PAD), jnp.float32),
        ],
    )(g3)



_GW = 128
_NW = 32
_CPW = IDX_TOTAL // (_NW * _GW)

def _run_gather(table, idx_flat):
    mesh = plsc.VectorSubcoreMesh(core_axis_name="c", subcore_axis_name="s")

    @functools.partial(
        pl.kernel,
        out_type=jax.ShapeDtypeStruct((IDX_TOTAL, TW), jnp.float32),
        mesh=mesh,
        scratch_types=[
            pltpu.VMEM((_GW,), jnp.int32),
            pltpu.VMEM((_GW,), jnp.int32),
            pltpu.VMEM((_GW, TW), jnp.float32),
            pltpu.VMEM((_GW, TW), jnp.float32),
            pltpu.SemaphoreType.DMA,
            pltpu.SemaphoreType.DMA,
            pltpu.SemaphoreType.DMA,
            pltpu.SemaphoreType.DMA,
        ],
    )
    def gather_kernel(t_hbm, i_hbm, o_hbm, idx0, idx1, rows0, rows1,
                      sg0, sg1, sw0, sw1):
        wid = lax.axis_index("s") * 2 + lax.axis_index("c")
        base = wid * (_CPW * _GW)
        idx_b = (idx0, idx1)
        rows_b = (rows0, rows1)
        sg_b = (sg0, sg1)
        sw_b = (sw0, sw1)

        def wait_gather(b):
            pltpu.make_async_copy(t_hbm.at[idx_b[b]], rows_b[b], sg_b[b]).wait()

        def wait_wb(b, off):
            pltpu.make_async_copy(rows_b[b], o_hbm.at[pl.ds(off, _GW)],
                                  sw_b[b]).wait()

        pltpu.sync_copy(i_hbm.at[pl.ds(base, _GW)], idx0)
        pltpu.async_copy(t_hbm.at[idx0], rows0, sg0)

        @pl.loop(0, _CPW, step=2)
        def _(i):
            for db in range(2):
                b = db
                bl = 1 - db
                i_eff = i + db

                @pl.when(i_eff + 1 < _CPW)
                def _():
                    @pl.when(i_eff >= 1)
                    def _():
                        wait_wb(bl, base + (i_eff - 1) * _GW)

                    off = base + (i_eff + 1) * _GW
                    pltpu.sync_copy(i_hbm.at[pl.ds(off, _GW)], idx_b[bl])
                    pltpu.async_copy(t_hbm.at[idx_b[bl]], rows_b[bl], sg_b[bl])

                wait_gather(b)
                pltpu.async_copy(rows_b[b], o_hbm.at[pl.ds(base + i_eff * _GW, _GW)],
                                 sw_b[b])

        wait_wb(0, base + (_CPW - 2) * _GW)
        wait_wb(1, base + (_CPW - 1) * _GW)

    return gather_kernel(table, idx_flat)



_PC = 2048

def _reduce_kernel(g0_ref, g1_ref, w_ref, o_ref):
    w = w_ref[...]

    t = g0_ref[...] * w[:, 0:1] + g1_ref[...] * w[:, 1:2]

    e4 = (lax.broadcasted_iota(jnp.int32, (4, TW), 1) // C
          == lax.broadcasted_iota(jnp.int32, (4, TW), 0)).astype(jnp.float32)
    w4 = w[:, 2:6]
    w4_hi = w4.astype(jnp.bfloat16).astype(jnp.float32)
    w4_lo = w4 - w4_hi
    wxy = (jnp.dot(w4_hi, e4, preferred_element_type=jnp.float32)
           + jnp.dot(w4_lo, e4, preferred_element_type=jnp.float32))
    t = t * wxy
    o_ref[...] = ((t[:, 0:C] + t[:, C : 2 * C])
                  + (t[:, 2 * C : 3 * C] + t[:, 3 * C : 4 * C]))


def _run_reduce(gathered, w8):
    nblk = P_PAD // _PC
    return pl.pallas_call(
        _reduce_kernel,
        grid=(nblk,),
        in_specs=[
            pl.BlockSpec((_PC, TW), lambda i: (i, 0)),
            pl.BlockSpec((_PC, TW), lambda i: (i + P_PAD // _PC, 0)),
            pl.BlockSpec((_PC, 6), lambda i: (i, 0)),
        ],
        out_specs=pl.BlockSpec((_PC, C), lambda i: (i, 0)),
        out_shape=jax.ShapeDtypeStruct((P_PAD, C), jnp.float32),
    )(gathered, gathered, w8)



def kernel(grid, volume, Wg, bg, edge_index):
    P = grid.shape[1]
    xt = jnp.transpose(volume.reshape(C, N))
    table = _run_stencil(xt, Wg, bg)

    g3 = jnp.pad(jnp.transpose(grid.reshape(P, 3)), ((0, 0), (0, P_PAD - P)))
    idx2, w8t = _run_coef(g3)

    gathered = _run_gather(table, idx2.reshape(IDX_TOTAL))
    out = _run_reduce(gathered, jnp.transpose(w8t))

    return jnp.transpose(out[:P]).reshape(1, C, P, 1, 1)

# --- scband reference (transcript-rebuilt; emitter-appended) ---
"""Pipeline reference for scband-geometric-multi-grid-81295140979116 (READ-ONLY COPY).

The authoritative reference and input builder live on the scoring server;
editing this copy changes nothing except your own understanding.
"""

import jax, jax.numpy as jnp
import numpy as np

R = 48
C = 32
P = 100000

def _grid_edges(R):
    idx = np.arange(R ** 3, dtype=np.int32).reshape(R, R, R)
    src, dst = [], []
    for ax in range(3):
        a = np.take(idx, np.arange(R - 1), axis=ax).ravel()
        b = np.take(idx, np.arange(1, R), axis=ax).ravel()
        src.append(a); dst.append(b)
        src.append(b); dst.append(a)
    return np.stack([np.concatenate(src), np.concatenate(dst)], axis=0).astype(np.int32)

def setup_inputs(seed: int = 0):
    key = jax.random.key(seed)
    k1, k2, k3 = jax.random.split(key, 3)
    grid = jax.random.uniform(k1, (1, P, 1, 1, 3), minval=-1.0, maxval=1.0, dtype=jnp.float32)
    volume = 0.1 * jax.random.normal(k2, (1, C, R, R, R), dtype=jnp.float32)
    Wg = jax.random.normal(k3, (C, C), dtype=jnp.float32) / np.sqrt(C)
    bg = jnp.zeros((C,), dtype=jnp.float32)
    edge_index = jnp.asarray(_grid_edges(R))
    return {"grid": grid, "volume": volume, "Wg": Wg, "bg": bg, "edge_index": edge_index}

def _trilinear_sample(vol, grid):
    # vol [C, D, H, W]; grid [1, P, 1, 1, 3] in [-1, 1]; align_corners=True, no smoothstep
    Cc, D, H, W = vol.shape
    v = jnp.transpose(vol, (1, 2, 3, 0))  # [D, H, W, C]
    g = grid.reshape(-1, 3)
    x = (g[:, 0] + 1.0) * 0.5 * (W - 1)
    y = (g[:, 1] + 1.0) * 0.5 * (H - 1)
    z = (g[:, 2] + 1.0) * 0.5 * (D - 1)
    x0 = jnp.clip(jnp.floor(x), 0, W - 1); y0 = jnp.clip(jnp.floor(y), 0, H - 1); z0 = jnp.clip(jnp.floor(z), 0, D - 1)
    x1 = jnp.clip(x0 + 1, 0, W - 1); y1 = jnp.clip(y0 + 1, 0, H - 1); z1 = jnp.clip(z0 + 1, 0, D - 1)
    wx = (x - x0)[:, None]; wy = (y - y0)[:, None]; wz = (z - z0)[:, None]
    x0i = x0.astype(jnp.int32); x1i = x1.astype(jnp.int32)
    y0i = y0.astype(jnp.int32); y1i = y1.astype(jnp.int32)
    z0i = z0.astype(jnp.int32); z1i = z1.astype(jnp.int32)
    def gat(zi, yi, xi):
        return v[zi, yi, xi]  # gather -> [P, C]
    out = (gat(z0i, y0i, x0i) * (1 - wz) * (1 - wy) * (1 - wx)
         + gat(z0i, y0i, x1i) * (1 - wz) * (1 - wy) * wx
         + gat(z0i, y1i, x0i) * (1 - wz) * wy * (1 - wx)
         + gat(z0i, y1i, x1i) * (1 - wz) * wy * wx
         + gat(z1i, y0i, x0i) * wz * (1 - wy) * (1 - wx)
         + gat(z1i, y0i, x1i) * wz * (1 - wy) * wx
         + gat(z1i, y1i, x0i) * wz * wy * (1 - wx)
         + gat(z1i, y1i, x1i) * wz * wy * wx)
    out = out.reshape(1, grid.shape[1], grid.shape[2], grid.shape[3], Cc)
    return jnp.transpose(out, (0, 4, 1, 2, 3))  # [1, C, P, 1, 1]

def _forward(grid, volume, Wg, bg, edge_index):
    Rr = volume.shape[2]
    Cc = volume.shape[1]
    N = Rr * Rr * Rr
    # volume [1,C,R,R,R] -> node features [N, C]  (permute (1,2,3,0) then flatten)
    x = jnp.transpose(volume[0], (1, 2, 3, 0)).reshape(N, Cc)
    # ggb: GCN-style mean-aggregation message passing + linear + ReLU
    src = edge_index[0]; dst = edge_index[1]
    agg = jax.ops.segment_sum(x[src], dst, num_segments=N)
    deg = jax.ops.segment_sum(jnp.ones_like(src, dtype=jnp.float32), dst, num_segments=N)
    deg = jnp.maximum(deg, 1.0)
    h = jax.nn.relu((x + agg / deg[:, None]) @ Wg + bg)
    # back to volume layout [1, C, R, R, R] then trilinear sample at grid
    vol = jnp.transpose(h.reshape(Rr, Rr, Rr, Cc), (3, 0, 1, 2))
    return _trilinear_sample(vol, grid)

def reference(grid, volume, Wg, bg, edge_index):
    return _forward(grid, volume, Wg, bg, edge_index)

if __name__ == "__main__":
    import jax
    _d = setup_inputs()
    print(jax.jit(kernel)(*tuple(_d.values())))

</pallas_src>

<mosaic_0001>
#map = affine_map<(d0, d1) -> (0, 0)>
#map1 = affine_map<(d0, d1) -> (0)>
module attributes {stable_mosaic.version = 14 : i64} {
  func.func @gather_kernel(%arg0: i32, %arg1: i32, %arg2: memref<110592x128xf32, #tpu.memory_space<hbm>>, %arg3: memref<204800xi32, #tpu.memory_space<hbm>>, %arg4: memref<204800x128xf32, #tpu.memory_space<hbm>>, %arg5: memref<128xi32, #tpu.memory_space<vmem>>, %arg6: memref<128xi32, #tpu.memory_space<vmem>>, %arg7: memref<128x128xf32, #tpu.memory_space<vmem>>, %arg8: memref<128x128xf32, #tpu.memory_space<vmem>>, %arg9: memref<!tpu.dma_semaphore, #tpu.memory_space<semaphore_mem>>, %arg10: memref<!tpu.dma_semaphore, #tpu.memory_space<semaphore_mem>>, %arg11: memref<!tpu.dma_semaphore, #tpu.memory_space<semaphore_mem>>, %arg12: memref<!tpu.dma_semaphore, #tpu.memory_space<semaphore_mem>>) attributes {dimension_semantics = [#tpu.dimension_semantics<core_parallel>, #tpu.dimension_semantics<subcore_parallel>], iteration_bounds = array<i64: 2, 16>, scalar_prefetch = 0 : i64, scratch_operands = 8 : i64, tpu.core_type = #tpu.core_type<sc_vector_subcore>, window_params = [{transform_indices = #map}, {transform_indices = #map1}, {transform_indices = #map}]} {
    %mul3A = arith.constant 2 : i32
    %mul3A_0 = arith.muli %arg1, %mul3A : i32
    %add3A = arith.addi %mul3A_0, %arg0 : i32
    %mul3A_1 = arith.constant 6400 : i32
    %mul3A_2 = arith.muli %add3A, %mul3A_1 : i32
    "tpu.region"() ({
      %run_scoped3A = tpu.sem_alloc : memref<!tpu.dma_semaphore, #tpu.memory_space<semaphore_mem>>
      %dma_start3A_20 = tpu.memref_slice %arg3[%mul3A_2] : memref<204800xi32, #tpu.memory_space<hbm>> -> memref<128xi32, #tpu.memory_space<hbm>>
      %dma_start3A_21 = tpu.memref_slice %arg3[%mul3A_2] : memref<204800xi32, #tpu.memory_space<hbm>> -> memref<128xi32, #tpu.memory_space<hbm>>
      tpu.enqueue_dma source(%dma_start3A_21 : memref<128xi32, #tpu.memory_space<hbm>>) target(%arg5 : memref<128xi32, #tpu.memory_space<vmem>>) target_semaphore(%run_scoped3A : memref<!tpu.dma_semaphore, #tpu.memory_space<semaphore_mem>>)
      %dma_wait3A_22 = tpu.memref_slice %arg3[%mul3A_2] : memref<204800xi32, #tpu.memory_space<hbm>> -> memref<128xi32, #tpu.memory_space<hbm>>
      %dma_wait3A_23 = tpu.memref_slice %arg3[%mul3A_2] : memref<204800xi32, #tpu.memory_space<hbm>> -> memref<128xi32, #tpu.memory_space<hbm>>
      tpu.wait_dma2 semaphore(%run_scoped3A : memref<!tpu.dma_semaphore, #tpu.memory_space<semaphore_mem>>) src(%dma_wait3A_23 : memref<128xi32, #tpu.memory_space<hbm>>) dst(%arg5 : memref<128xi32, #tpu.memory_space<vmem>>)
      tpu.yield
    }) : () -> ()
    %dma_start3A = arith.constant 0 : i32
    %dma_start3A_3 = arith.constant 0 : i32
    %dma_start3A_4 = tpu.memref_slice %arg2[%dma_start3A, %dma_start3A_3] : memref<110592x128xf32, #tpu.memory_space<hbm>> -> memref<110592x128xf32, #tpu.memory_space<hbm>>
    tpu.enqueue_indirect_dma source(%dma_start3A_4 : memref<110592x128xf32, #tpu.memory_space<hbm>>) target(%arg7 : memref<128x128xf32, #tpu.memory_space<vmem>>) offsets(%arg5 : memref<128xi32, #tpu.memory_space<vmem>>) semaphore(%arg9 : memref<!tpu.dma_semaphore, #tpu.memory_space<semaphore_mem>>)
    %scan3A = arith.constant 0 : i32
    %scan3A_5 = arith.constant 25 : i32
    %scan3A_6 = arith.addi %scan3A, %scan3A_5 : i32
    %scan3A_7 = arith.constant 1 : i32
    scf.for %scan3A_20 = %scan3A to %scan3A_6 step %scan3A_7  : i32 {
      %mul3A_21 = arith.constant 2 : i32
      %mul3A_22 = arith.muli %scan3A_20, %mul3A_21 : i32
      %add3A_23 = arith.constant 0 : i32
      %add3A_24 = arith.addi %add3A_23, %mul3A_22 : i32
      %add3A_25 = arith.constant 0 : i32
      %add3A_26 = arith.addi %add3A_24, %add3A_25 : i32
      %add3A_27 = arith.constant 1 : i32
      %add3A_28 = arith.addi %add3A_26, %add3A_27 : i32
      %lt3A = arith.constant 50 : i32
      %lt3A_29 = arith.cmpi slt, %add3A_28, %lt3A : i32
      %convert_element_type3A = arith.extui %lt3A_29 : i1 to i32
      %cond3A = arith.constant 0 : i32
      %cond3A_30 = arith.cmpi ne, %convert_element_type3A, %cond3A : i32
      scf.if %cond3A_30 {
        %ge3A = arith.constant 1 : i32
        %ge3A_60 = arith.cmpi sge, %add3A_26, %ge3A : i32
        %convert_element_type3A_61 = arith.extui %ge3A_60 : i1 to i32
        %cond3A_62 = arith.constant 0 : i32
        %cond3A_63 = arith.cmpi ne, %convert_element_type3A_61, %cond3A_62 : i32
        scf.if %cond3A_63 {
          %sub3A = arith.constant 1 : i32
          %sub3A_72 = arith.subi %add3A_26, %sub3A : i32
          %mul3A_73 = arith.constant 128 : i32
          %mul3A_74 = arith.muli %sub3A_72, %mul3A_73 : i32
          %add3A_75 = arith.addi %mul3A_2, %mul3A_74 : i32
          %dma_wait3A_76 = arith.constant 0 : i32
          %dma_wait3A_77 = tpu.memref_slice %arg4[%add3A_75, %dma_wait3A_76] : memref<204800x128xf32, #tpu.memory_space<hbm>> -> memref<128x128xf32, #tpu.memory_space<hbm>>
          %dma_wait3A_78 = arith.constant 0 : i32
          %dma_wait3A_79 = tpu.memref_slice %arg4[%add3A_75, %dma_wait3A_78] : memref<204800x128xf32, #tpu.memory_space<hbm>> -> memref<128x128xf32, #tpu.memory_space<hbm>>
          tpu.wait_dma2 semaphore(%arg12 : memref<!tpu.dma_semaphore, #tpu.memory_space<semaphore_mem>>) src(%arg8 : memref<128x128xf32, #tpu.memory_space<vmem>>) dst(%dma_wait3A_79 : memref<128x128xf32, #tpu.memory_space<hbm>>)
        } else {
        }
        %add3A_64 = arith.constant 1 : i32
        %add3A_65 = arith.addi %add3A_26, %add3A_64 : i32
        %mul3A_66 = arith.constant 128 : i32
        %mul3A_67 = arith.muli %add3A_65, %mul3A_66 : i32
        %add3A_68 = arith.addi %mul3A_2, %mul3A_67 : i32
        "tpu.region"() ({
          %run_scoped3A = tpu.sem_alloc : memref<!tpu.dma_semaphore, #tpu.memory_space<semaphore_mem>>
          %dma_start3A_72 = tpu.memref_slice %arg3[%add3A_68] : memref<204800xi32, #tpu.memory_space<hbm>> -> memref<128xi32, #tpu.memory_space<hbm>>
          %dma_start3A_73 = tpu.memref_slice %arg3[%add3A_68] : memref<204800xi32, #tpu.memory_space<hbm>> -> memref<128xi32, #tpu.memory_space<hbm>>
          tpu.enqueue_dma source(%dma_start3A_73 : memref<128xi32, #tpu.memory_space<hbm>>) target(%arg6 : memref<128xi32, #tpu.memory_space<vmem>>) target_semaphore(%run_scoped3A : memref<!tpu.dma_semaphore, #tpu.memory_space<semaphore_mem>>)
          %dma_wait3A_74 = tpu.memref_slice %arg3[%add3A_68] : memref<204800xi32, #tpu.memory_space<hbm>> -> memref<128xi32, #tpu.memory_space<hbm>>
          %dma_wait3A_75 = tpu.memref_slice %arg3[%add3A_68] : memref<204800xi32, #tpu.memory_space<hbm>> -> memref<128xi32, #tpu.memory_space<hbm>>
          tpu.wait_dma2 semaphore(%run_scoped3A : memref<!tpu.dma_semaphore, #tpu.memory_space<semaphore_mem>>) src(%dma_wait3A_75 : memref<128xi32, #tpu.memory_space<hbm>>) dst(%arg6 : memref<128xi32, #tpu.memory_space<vmem>>)
          tpu.yield
        }) : () -> ()
        %dma_start3A_69 = arith.constant 0 : i32
        %dma_start3A_70 = arith.constant 0 : i32
        %dma_start3A_71 = tpu.memref_slice %arg2[%dma_start3A_69, %dma_start3A_70] : memref<110592x128xf32, #tpu.memory_space<hbm>> -> memref<110592x128xf32, #tpu.memory_space<hbm>>
        tpu.enqueue_indirect_dma source(%dma_start3A_71 : memref<110592x128xf32, #tpu.memory_space<hbm>>) target(%arg8 : memref<128x128xf32, #tpu.memory_space<vmem>>) offsets(%arg6 : memref<128xi32, #tpu.memory_space<vmem>>) semaphore(%arg10 : memref<!tpu.dma_semaphore, #tpu.memory_space<semaphore_mem>>)
      } else {
      }
      %dma_wait3A_31 = arith.constant 0 : i32
      %dma_wait3A_32 = arith.constant 0 : i32
      %dma_wait3A_33 = tpu.memref_slice %arg2[%dma_wait3A_31, %dma_wait3A_32] : memref<110592x128xf32, #tpu.memory_space<hbm>> -> memref<110592x128xf32, #tpu.memory_space<hbm>>
      tpu.wait_indirect_dma semaphore(%arg9 : memref<!tpu.dma_semaphore, #tpu.memory_space<semaphore_mem>>) src(%dma_wait3A_33 : memref<110592x128xf32, #tpu.memory_space<hbm>>) dst(%arg7 : memref<128x128xf32, #tpu.memory_space<vmem>>)
      %mul3A_34 = arith.constant 128 : i32
      %mul3A_35 = arith.muli %add3A_26, %mul3A_34 : i32
      %add3A_36 = arith.addi %mul3A_2, %mul3A_35 : i32
      %dma_start3A_37 = arith.constant 0 : i32
      %dma_start3A_38 = tpu.memref_slice %arg4[%add3A_36, %dma_start3A_37] : memref<204800x128xf32, #tpu.memory_space<hbm>> -> memref<128x128xf32, #tpu.memory_space<hbm>>
      %dma_start3A_39 = arith.constant 0 : i32
      %dma_start3A_40 = tpu.memref_slice %arg4[%add3A_36, %dma_start3A_39] : memref<204800x128xf32, #tpu.memory_space<hbm>> -> memref<128x128xf32, #tpu.memory_space<hbm>>
      tpu.enqueue_dma source(%arg7 : memref<128x128xf32, #tpu.memory_space<vmem>>) target(%dma_start3A_40 : memref<128x128xf32, #tpu.memory_space<hbm>>) target_semaphore(%arg11 : memref<!tpu.dma_semaphore, #tpu.memory_space<semaphore_mem>>)
      %add3A_41 = arith.constant 1 : i32
      %add3A_42 = arith.addi %add3A_24, %add3A_41 : i32
      %add3A_43 = arith.constant 1 : i32
      %add3A_44 = arith.addi %add3A_42, %add3A_43 : i32
      %lt3A_45 = arith.constant 50 : i32
      %lt3A_46 = arith.cmpi slt, %add3A_44, %lt3A_45 : i32
      %convert_element_type3A_47 = arith.extui %lt3A_46 : i1 to i32
      %cond3A_48 = arith.constant 0 : i32
      %cond3A_49 = arith.cmpi ne, %convert_element_type3A_47, %cond3A_48 : i32
      scf.if %cond3A_49 {
        %ge3A = arith.constant 1 : i32
        %ge3A_60 = arith.cmpi sge, %add3A_42, %ge3A : i32
        %convert_element_type3A_61 = arith.extui %ge3A_60 : i1 to i32
        %cond3A_62 = arith.constant 0 : i32
        %cond3A_63 = arith.cmpi ne, %convert_element_type3A_61, %cond3A_62 : i32
        scf.if %cond3A_63 {
          %sub3A = arith.constant 1 : i32
          %sub3A_72 = arith.subi %add3A_42, %sub3A : i32
          %mul3A_73 = arith.constant 128 : i32
          %mul3A_74 = arith.muli %sub3A_72, %mul3A_73 : i32
          %add3A_75 = arith.addi %mul3A_2, %mul3A_74 : i32
          %dma_wait3A_76 = arith.constant 0 : i32
          %dma_wait3A_77 = tpu.memref_slice %arg4[%add3A_75, %dma_wait3A_76] : memref<204800x128xf32, #tpu.memory_space<hbm>> -> memref<128x128xf32, #tpu.memory_space<hbm>>
          %dma_wait3A_78 = arith.constant 0 : i32
          %dma_wait3A_79 = tpu.memref_slice %arg4[%add3A_75, %dma_wait3A_78] : memref<204800x128xf32, #tpu.memory_space<hbm>> -> memref<128x128xf32, #tpu.memory_space<hbm>>
          tpu.wait_dma2 semaphore(%arg11 : memref<!tpu.dma_semaphore, #tpu.memory_space<semaphore_mem>>) src(%arg7 : memref<128x128xf32, #tpu.memory_space<vmem>>) dst(%dma_wait3A_79 : memref<128x128xf32, #tpu.memory_space<hbm>>)
        } else {
        }
        %add3A_64 = arith.constant 1 : i32
        %add3A_65 = arith.addi %add3A_42, %add3A_64 : i32
        %mul3A_66 = arith.constant 128 : i32
        %mul3A_67 = arith.muli %add3A_65, %mul3A_66 : i32
        %add3A_68 = arith.addi %mul3A_2, %mul3A_67 : i32
        "tpu.region"() ({
          %run_scoped3A = tpu.sem_alloc : memref<!tpu.dma_semaphore, #tpu.memory_space<semaphore_mem>>
          %dma_start3A_72 = tpu.memref_slice %arg3[%add3A_68] : memref<204800xi32, #tpu.memory_space<hbm>> -> memref<128xi32, #tpu.memory_space<hbm>>
          %dma_start3A_73 = tpu.memref_slice %arg3[%add3A_68] : memref<204800xi32, #tpu.memory_space<hbm>> -> memref<128xi32, #tpu.memory_space<hbm>>
          tpu.enqueue_dma source(%dma_start3A_73 : memref<128xi32, #tpu.memory_space<hbm>>) target(%arg5 : memref<128xi32, #tpu.memory_space<vmem>>) target_semaphore(%run_scoped3A : memref<!tpu.dma_semaphore, #tpu.memory_space<semaphore_mem>>)
          %dma_wait3A_74 = tpu.memref_slice %arg3[%add3A_68] : memref<204800xi32, #tpu.memory_space<hbm>> -> memref<128xi32, #tpu.memory_space<hbm>>
          %dma_wait3A_75 = tpu.memref_slice %arg3[%add3A_68] : memref<204800xi32, #tpu.memory_space<hbm>> -> memref<128xi32, #tpu.memory_space<hbm>>
          tpu.wait_dma2 semaphore(%run_scoped3A : memref<!tpu.dma_semaphore, #tpu.memory_space<semaphore_mem>>) src(%dma_wait3A_75 : memref<128xi32, #tpu.memory_space<hbm>>) dst(%arg5 : memref<128xi32, #tpu.memory_space<vmem>>)
          tpu.yield
        }) : () -> ()
        %dma_start3A_69 = arith.constant 0 : i32
        %dma_start3A_70 = arith.constant 0 : i32
        %dma_start3A_71 = tpu.memref_slice %arg2[%dma_start3A_69, %dma_start3A_70] : memref<110592x128xf32, #tpu.memory_space<hbm>> -> memref<110592x128xf32, #tpu.memory_space<hbm>>
        tpu.enqueue_indirect_dma source(%dma_start3A_71 : memref<110592x128xf32, #tpu.memory_space<hbm>>) target(%arg7 : memref<128x128xf32, #tpu.memory_space<vmem>>) offsets(%arg5 : memref<128xi32, #tpu.memory_space<vmem>>) semaphore(%arg9 : memref<!tpu.dma_semaphore, #tpu.memory_space<semaphore_mem>>)
      } else {
      }
      %dma_wait3A_50 = arith.constant 0 : i32
      %dma_wait3A_51 = arith.constant 0 : i32
      %dma_wait3A_52 = tpu.memref_slice %arg2[%dma_wait3A_50, %dma_wait3A_51] : memref<110592x128xf32, #tpu.memory_space<hbm>> -> memref<110592x128xf32, #tpu.memory_space<hbm>>
      tpu.wait_indirect_dma semaphore(%arg10 : memref<!tpu.dma_semaphore, #tpu.memory_space<semaphore_mem>>) src(%dma_wait3A_52 : memref<110592x128xf32, #tpu.memory_space<hbm>>) dst(%arg8 : memref<128x128xf32, #tpu.memory_space<vmem>>)
      %mul3A_53 = arith.constant 128 : i32
      %mul3A_54 = arith.muli %add3A_42, %mul3A_53 : i32
      %add3A_55 = arith.addi %mul3A_2, %mul3A_54 : i32
      %dma_start3A_56 = arith.constant 0 : i32
      %dma_start3A_57 = tpu.memref_slice %arg4[%add3A_55, %dma_start3A_56] : memref<204800x128xf32, #tpu.memory_space<hbm>> -> memref<128x128xf32, #tpu.memory_space<hbm>>
      %dma_start3A_58 = arith.constant 0 : i32
      %dma_start3A_59 = tpu.memref_slice %arg4[%add3A_55, %dma_start3A_58] : memref<204800x128xf32, #tpu.memory_space<hbm>> -> memref<128x128xf32, #tpu.memory_space<hbm>>
      tpu.enqueue_dma source(%arg8 : memref<128x128xf32, #tpu.memory_space<vmem>>) target(%dma_start3A_59 : memref<128x128xf32, #tpu.memory_space<hbm>>) target_semaphore(%arg12 : memref<!tpu.dma_semaphore, #tpu.memory_space<semaphore_mem>>)
    }
    %scan3A_8 = arith.constant 25 : i32
    %add3A_9 = arith.constant 6144 : i32
    %add3A_10 = arith.addi %mul3A_2, %add3A_9 : i32
    %dma_wait3A = arith.constant 0 : i32
    %dma_wait3A_11 = tpu.memref_slice %arg4[%add3A_10, %dma_wait3A] : memref<204800x128xf32, #tpu.memory_space<hbm>> -> memref<128x128xf32, #tpu.memory_space<hbm>>
    %dma_wait3A_12 = arith.constant 0 : i32
    %dma_wait3A_13 = tpu.memref_slice %arg4[%add3A_10, %dma_wait3A_12] : memref<204800x128xf32, #tpu.memory_space<hbm>> -> memref<128x128xf32, #tpu.memory_space<hbm>>
    tpu.wait_dma2 semaphore(%arg11 : memref<!tpu.dma_semaphore, #tpu.memory_space<semaphore_mem>>) src(%arg7 : memref<128x128xf32, #tpu.memory_space<vmem>>) dst(%dma_wait3A_13 : memref<128x128xf32, #tpu.memory_space<hbm>>)
    %add3A_14 = arith.constant 6272 : i32
    %add3A_15 = arith.addi %mul3A_2, %add3A_14 : i32
    %dma_wait3A_16 = arith.constant 0 : i32
    %dma_wait3A_17 = tpu.memref_slice %arg4[%add3A_15, %dma_wait3A_16] : memref<204800x128xf32, #tpu.memory_space<hbm>> -> memref<128x128xf32, #tpu.memory_space<hbm>>
    %dma_wait3A_18 = arith.constant 0 : i32
    %dma_wait3A_19 = tpu.memref_slice %arg4[%add3A_15, %dma_wait3A_18] : memref<204800x128xf32, #tpu.memory_space<hbm>> -> memref<128x128xf32, #tpu.memory_space<hbm>>
    tpu.wait_dma2 semaphore(%arg12 : memref<!tpu.dma_semaphore, #tpu.memory_space<semaphore_mem>>) src(%arg8 : memref<128x128xf32, #tpu.memory_space<vmem>>) dst(%dma_wait3A_19 : memref<128x128xf32, #tpu.memory_space<hbm>>)
    return
  }
}

module attributes {stable_mosaic.version = 14 : i64} {
  func.func @_coef_kernel(%arg0: i32, %arg1: memref<3x4096xf32, #tpu.memory_space<vmem>>, %arg2: memref<2x4096xi32, #tpu.memory_space<vmem>>, %arg3: memref<6x4096xf32, #tpu.memory_space<vmem>>) attributes {dimension_semantics = [#tpu.dimension_semantics<arbitrary>], iteration_bounds = array<i64: 25>, scalar_prefetch = 0 : i64, scratch_operands = 0 : i64, tpu.core_type = #tpu.core_type<tc>, window_params = [{transform_indices = @transform_0, window_bounds = array<i64: 3, 4096>}, {transform_indices = @transform_1, window_bounds = array<i64: 2, 4096>}, {transform_indices = @transform_2, window_bounds = array<i64: 6, 4096>}]} {
    %get3A = arith.constant 0 : index
    %get3A_0 = arith.constant 0 : index
    %get3A_1 = vector.load %arg1[%get3A, %get3A_0] : memref<3x4096xf32, #tpu.memory_space<vmem>>, vector<3x4096xf32>
    %add3A = arith.constant 1.000000e+00 : f32
    %add3A_2 = vector.broadcast %add3A : f32 to vector<3x4096xf32>
    %add3A_3 = arith.addf %get3A_1, %add3A_2 : vector<3x4096xf32>
    %mul3A = arith.constant 2.350000e+01 : f32
    %mul3A_4 = vector.broadcast %mul3A : f32 to vector<3x4096xf32>
    %mul3A_5 = arith.mulf %add3A_3, %mul3A_4 : vector<3x4096xf32>
    %floor3A = math.floor %mul3A_5 : vector<3x4096xf32>
    %jit3A = arith.constant 0.000000e+00 : f32
    %jit3A_6 = arith.constant 4.700000e+01 : f32
    %max3A = vector.broadcast %jit3A : f32 to vector<3x4096xf32>
    %max3A_7 = arith.maximumf %max3A, %floor3A : vector<3x4096xf32>
    %min3A = vector.broadcast %jit3A_6 : f32 to vector<3x4096xf32>
    %min3A_8 = arith.minimumf %min3A, %max3A_7 : vector<3x4096xf32>
    %sub3A = arith.subf %mul3A_5, %min3A_8 : vector<3x4096xf32>
    %slice3A = vector.extract_strided_slice %min3A_8 {offsets = [0, 0], sizes = [1, 4096], strides = [1, 1]} : vector<3x4096xf32> to vector<1x4096xf32>
    %slice3A_9 = vector.extract_strided_slice %min3A_8 {offsets = [1, 0], sizes = [1, 4096], strides = [1, 1]} : vector<3x4096xf32> to vector<1x4096xf32>
    %slice3A_10 = vector.extract_strided_slice %min3A_8 {offsets = [2, 0], sizes = [1, 4096], strides = [1, 1]} : vector<3x4096xf32> to vector<1x4096xf32>
    %add3A_11 = arith.constant 1.000000e+00 : f32
    %add3A_12 = vector.broadcast %add3A_11 : f32 to vector<1x4096xf32>
    %add3A_13 = arith.addf %slice3A_10, %add3A_12 : vector<1x4096xf32>
    %jit3A_14 = arith.constant 0.000000e+00 : f32
    %jit3A_15 = arith.constant 4.700000e+01 : f32
    %max3A_16 = vector.broadcast %jit3A_14 : f32 to vector<1x4096xf32>
    %max3A_17 = arith.maximumf %max3A_16, %add3A_13 : vector<1x4096xf32>
    %min3A_18 = vector.broadcast %jit3A_15 : f32 to vector<1x4096xf32>
    %min3A_19 = arith.minimumf %min3A_18, %max3A_17 : vector<1x4096xf32>
    %mul3A_20 = arith.constant 4.800000e+01 : f32
    %mul3A_21 = vector.broadcast %mul3A_20 : f32 to vector<1x4096xf32>
    %mul3A_22 = arith.mulf %slice3A_10, %mul3A_21 : vector<1x4096xf32>
    %add3A_23 = arith.addf %mul3A_22, %slice3A_9 : vector<1x4096xf32>
    %mul3A_24 = arith.constant 4.800000e+01 : f32
    %mul3A_25 = vector.broadcast %mul3A_24 : f32 to vector<1x4096xf32>
    %mul3A_26 = arith.mulf %add3A_23, %mul3A_25 : vector<1x4096xf32>
    %add3A_27 = arith.addf %mul3A_26, %slice3A : vector<1x4096xf32>
    %mul3A_28 = arith.constant 4.800000e+01 : f32
    %mul3A_29 = vector.broadcast %mul3A_28 : f32 to vector<1x4096xf32>
    %mul3A_30 = arith.mulf %min3A_19, %mul3A_29 : vector<1x4096xf32>
    %add3A_31 = arith.addf %mul3A_30, %slice3A_9 : vector<1x4096xf32>
    %mul3A_32 = arith.constant 4.800000e+01 : f32
    %mul3A_33 = vector.broadcast %mul3A_32 : f32 to vector<1x4096xf32>
    %mul3A_34 = arith.mulf %add3A_31, %mul3A_33 : vector<1x4096xf32>
    %add3A_35 = arith.addf %mul3A_34, %slice3A : vector<1x4096xf32>
    %concatenate3A = tpu.concatenate %add3A_27, %add3A_35 in 0 : vector<1x4096xf32>, vector<1x4096xf32> -> vector<2x4096xf32>
    %convert_element_type3A = arith.fptosi %concatenate3A : vector<2x4096xf32> to vector<2x4096xi32>
    %swap3A = arith.constant 0 : index
    %swap3A_36 = arith.constant 0 : index
    %swap3A_37 = vector.load %arg2[%swap3A, %swap3A_36] : memref<2x4096xi32, #tpu.memory_space<vmem>>, vector<2x4096xi32>
    tpu.vector_store %arg2[%swap3A, %swap3A_36], %convert_element_type3A {strides = array<i32>} : memref<2x4096xi32, #tpu.memory_space<vmem>>, vector<2x4096xi32>,
    %slice3A_38 = vector.extract_strided_slice %sub3A {offsets = [0, 0], sizes = [1, 4096], strides = [1, 1]} : vector<3x4096xf32> to vector<1x4096xf32>
    %slice3A_39 = vector.extract_strided_slice %sub3A {offsets = [1, 0], sizes = [1, 4096], strides = [1, 1]} : vector<3x4096xf32> to vector<1x4096xf32>
    %slice3A_40 = vector.extract_strided_slice %sub3A {offsets = [2, 0], sizes = [1, 4096], strides = [1, 1]} : vector<3x4096xf32> to vector<1x4096xf32>
    %sub3A_41 = arith.constant 1.000000e+00 : f32
    %sub3A_42 = vector.broadcast %sub3A_41 : f32 to vector<1x4096xf32>
    %sub3A_43 = arith.subf %sub3A_42, %slice3A_40 : vector<1x4096xf32>
    %sub3A_44 = arith.constant 1.000000e+00 : f32
    %sub3A_45 = vector.broadcast %sub3A_44 : f32 to vector<1x4096xf32>
    %sub3A_46 = arith.subf %sub3A_45, %slice3A_39 : vector<1x4096xf32>
    %sub3A_47 = arith.constant 1.000000e+00 : f32
    %sub3A_48 = vector.broadcast %sub3A_47 : f32 to vector<1x4096xf32>
    %sub3A_49 = arith.subf %sub3A_48, %slice3A_38 : vector<1x4096xf32>
    %mul3A_50 = arith.mulf %sub3A_46, %sub3A_49 : vector<1x4096xf32>
    %mul3A_51 = arith.mulf %sub3A_46, %slice3A_38 : vector<1x4096xf32>
    %sub3A_52 = arith.constant 1.000000e+00 : f32
    %sub3A_53 = vector.broadcast %sub3A_52 : f32 to vector<1x4096xf32>
    %sub3A_54 = arith.subf %sub3A_53, %slice3A_38 : vector<1x4096xf32>
    %mul3A_55 = arith.mulf %slice3A_39, %sub3A_54 : vector<1x4096xf32>
    %mul3A_56 = arith.mulf %slice3A_39, %slice3A_38 : vector<1x4096xf32>
    %concatenate3A_57 = tpu.concatenate %sub3A_43, %slice3A_40, %mul3A_50, %mul3A_51, %mul3A_55, %mul3A_56 in 0 : vector<1x4096xf32>, vector<1x4096xf32>, vector<1x4096xf32>, vector<1x4096xf32>, vector<1x4096xf32>, vector<1x4096xf32> -> vector<6x4096xf32>
    %swap3A_58 = arith.constant 0 : index
    %swap3A_59 = arith.constant 0 : index
    %swap3A_60 = vector.load %arg3[%swap3A_58, %swap3A_59] : memref<6x4096xf32, #tpu.memory_space<vmem>>, vector<6x4096xf32>
    tpu.vector_store %arg3[%swap3A_58, %swap3A_59], %concatenate3A_57 {strides = array<i32>} : memref<6x4096xf32, #tpu.memory_space<vmem>>, vector<6x4096xf32>,
    return
  }
  func.func @transform_0(%arg0: i32) -> (i32, i32) {
    %c0_i32 = arith.constant 0 : i32
    %c0_i32_0 = arith.constant 0 : i32
    return %c0_i32, %arg0 : i32, i32
  }
  func.func @transform_1(%arg0: i32) -> (i32, i32) {
    %c0_i32 = arith.constant 0 : i32
    %c0_i32_0 = arith.constant 0 : i32
    return %c0_i32, %arg0 : i32, i32
  }
  func.func @transform_2(%arg0: i32) -> (i32, i32) {
    %c0_i32 = arith.constant 0 : i32
    %c0_i32_0 = arith.constant 0 : i32
    return %c0_i32, %arg0 : i32, i32
  }
}

module attributes {stable_mosaic.version = 14 : i64} {
  func.func @_stencil_kernel(%arg0: i32, %arg1: memref<2304x32xf32, #tpu.memory_space<vmem>>, %arg2: memref<2304x32xf32, #tpu.memory_space<vmem>>, %arg3: memref<2304x32xf32, #tpu.memory_space<vmem>>, %arg4: memref<32x32xf32, #tpu.memory_space<vmem>>, %arg5: memref<1x32xf32, #tpu.memory_space<vmem>>, %arg6: memref<2304x128xf32, #tpu.memory_space<vmem>>) attributes {dimension_semantics = [#tpu.dimension_semantics<arbitrary>], iteration_bounds = array<i64: 48>, scalar_prefetch = 0 : i64, scratch_operands = 0 : i64, tpu.core_type = #tpu.core_type<tc>, window_params = [{transform_indices = @transform_0, window_bounds = array<i64: 2304, 32>}, {transform_indices = @transform_1, window_bounds = array<i64: 2304, 32>}, {transform_indices = @transform_2, window_bounds = array<i64: 2304, 32>}, {pipeline_mode = #tpu.pipeline_mode<synchronous>, transform_indices = @transform_3, window_bounds = array<i64: 32, 32>}, {pipeline_mode = #tpu.pipeline_mode<synchronous>, transform_indices = @transform_4, window_bounds = array<i64: 1, 32>}, {transform_indices = @transform_5, window_bounds = array<i64: 2304, 128>}]} {
    %get3A = arith.constant 0 : index
    %get3A_0 = arith.constant 0 : index
    %get3A_1 = vector.load %arg1[%get3A, %get3A_0] : memref<2304x32xf32, #tpu.memory_space<vmem>>, vector<2304x32xf32>
    %get3A_2 = arith.constant 0 : index
    %get3A_3 = arith.constant 0 : index
    %get3A_4 = vector.load %arg2[%get3A_2, %get3A_3] : memref<2304x32xf32, #tpu.memory_space<vmem>>, vector<2304x32xf32>
    %gt3A = arith.constant 0 : i32
    %gt3A_5 = arith.cmpi sgt, %arg0, %gt3A : i32
    %jit3A = arith.constant 1.000000e+00 : f32
    %jit3A_6 = arith.constant 0.000000e+00 : f32
    %select_n3A = arith.select %gt3A_5, %jit3A, %jit3A_6 : f32
    %mul3A = vector.broadcast %select_n3A : f32 to vector<2304x32xf32>
    %mul3A_7 = arith.mulf %get3A_4, %mul3A : vector<2304x32xf32>
    %get3A_8 = arith.constant 0 : index
    %get3A_9 = arith.constant 0 : index
    %get3A_10 = vector.load %arg3[%get3A_8, %get3A_9] : memref<2304x32xf32, #tpu.memory_space<vmem>>, vector<2304x32xf32>
    %lt3A = arith.constant 47 : i32
    %lt3A_11 = arith.cmpi slt, %arg0, %lt3A : i32
    %jit3A_12 = arith.constant 1.000000e+00 : f32
    %jit3A_13 = arith.constant 0.000000e+00 : f32
    %select_n3A_14 = arith.select %lt3A_11, %jit3A_12, %jit3A_13 : f32
    %mul3A_15 = vector.broadcast %select_n3A_14 : f32 to vector<2304x32xf32>
    %mul3A_16 = arith.mulf %get3A_10, %mul3A_15 : vector<2304x32xf32>
    %broadcast_in_dim3A = arith.constant 0.000000e+00 : f32
    %broadcast_in_dim3A_17 = vector.broadcast %broadcast_in_dim3A : f32 to vector<1x32xf32>
    %broadcast_in_dim3A_18 = arith.constant 0.000000e+00 : f32
    %broadcast_in_dim3A_19 = vector.broadcast %broadcast_in_dim3A_18 : f32 to vector<48x32xf32>
    %slice3A = vector.extract_strided_slice %get3A_1 {offsets = [0, 0], sizes = [2256, 32], strides = [1, 1]} : vector<2304x32xf32> to vector<2256x32xf32>
    %concatenate3A = tpu.concatenate %broadcast_in_dim3A_19, %slice3A in 0 : vector<48x32xf32>, vector<2256x32xf32> -> vector<2304x32xf32>
    %slice3A_20 = vector.extract_strided_slice %get3A_1 {offsets = [48, 0], sizes = [2256, 32], strides = [1, 1]} : vector<2304x32xf32> to vector<2256x32xf32>
    %concatenate3A_21 = tpu.concatenate %slice3A_20, %broadcast_in_dim3A_19 in 0 : vector<2256x32xf32>, vector<48x32xf32> -> vector<2304x32xf32>
    %iota3A = tpu.iota {dimensions = array<i32: 0>} : vector<2304x1xi32>
    %jit3A_22 = arith.constant 48 : i32
    %eq3A = arith.constant 0 : i32
    %eq3A_23 = arith.cmpi eq, %jit3A_22, %eq3A : i32
    %jit3A_24 = arith.constant 1 : i32
    %select_n3A_25 = arith.select %eq3A_23, %jit3A_24, %jit3A_22 : i32
    %rem3A = vector.broadcast %select_n3A_25 : i32 to vector<2304x1xi32>
    %rem3A_26 = arith.remsi %iota3A, %rem3A : vector<2304x1xi32>
    %ne3A = arith.constant 0 : i32
    %ne3A_27 = vector.broadcast %ne3A : i32 to vector<2304x1xi32>
    %ne3A_28 = arith.cmpi ne, %rem3A_26, %ne3A_27 : vector<2304x1xi32>
    %lt3A_29 = arith.constant 0 : i32
    %lt3A_30 = vector.broadcast %lt3A_29 : i32 to vector<2304x1xi32>
    %lt3A_31 = arith.cmpi slt, %rem3A_26, %lt3A_30 : vector<2304x1xi32>
    %lt3A_32 = arith.constant 0 : i32
    %lt3A_33 = arith.cmpi slt, %select_n3A_25, %lt3A_32 : i32
    %ne3A_34 = vector.broadcast %lt3A_33 : i1 to vector<2304x1xi1>
    %ne3A_35 = vector.broadcast %ne3A_34 : vector<2304x1xi1> to vector<2304x1xi1>
    %ne3A_36 = arith.xori %lt3A_31, %ne3A_35 : vector<2304x1xi1>
    %and3A = arith.andi %ne3A_36, %ne3A_28 : vector<2304x1xi1>
    %add3A = vector.broadcast %select_n3A_25 : i32 to vector<2304x1xi32>
    %add3A_37 = arith.addi %rem3A_26, %add3A : vector<2304x1xi32>
    %select_n3A_38 = arith.select %and3A, %add3A_37, %rem3A_26 : vector<2304x1xi1>, vector<2304x1xi32>
    %slice3A_39 = vector.extract_strided_slice %get3A_1 {offsets = [0, 0], sizes = [2303, 32], strides = [1, 1]} : vector<2304x32xf32> to vector<2303x32xf32>
    %concatenate3A_40 = tpu.concatenate %broadcast_in_dim3A_17, %slice3A_39 in 0 : vector<1x32xf32>, vector<2303x32xf32> -> vector<2304x32xf32>
    %gt3A_41 = arith.constant 0 : i32
    %gt3A_42 = vector.broadcast %gt3A_41 : i32 to vector<2304x1xi32>
    %gt3A_43 = arith.cmpi sgt, %select_n3A_38, %gt3A_42 : vector<2304x1xi32>
    %jit3A_44 = arith.constant 0.000000e+00 : f32
    %broadcast_in_dim3A_45 = vector.shape_cast %gt3A_43 : vector<2304x1xi1> to vector<2304x1xi1>
    %broadcast_in_dim3A_46 = vector.broadcast %broadcast_in_dim3A_45 : vector<2304x1xi1> to vector<2304x32xi1>
    %broadcast_in_dim3A_47 = vector.broadcast %jit3A_44 : f32 to vector<2304x32xf32>
    %select_n3A_48 = arith.select %broadcast_in_dim3A_46, %concatenate3A_40, %broadcast_in_dim3A_47 : vector<2304x32xi1>, vector<2304x32xf32>
    %slice3A_49 = vector.extract_strided_slice %get3A_1 {offsets = [1, 0], sizes = [2303, 32], strides = [1, 1]} : vector<2304x32xf32> to vector<2303x32xf32>
    %concatenate3A_50 = tpu.concatenate %slice3A_49, %broadcast_in_dim3A_17 in 0 : vector<2303x32xf32>, vector<1x32xf32> -> vector<2304x32xf32>
    %lt3A_51 = arith.constant 47 : i32
    %lt3A_52 = vector.broadcast %lt3A_51 : i32 to vector<2304x1xi32>
    %lt3A_53 = arith.cmpi slt, %select_n3A_38, %lt3A_52 : vector<2304x1xi32>
    %jit3A_54 = arith.constant 0.000000e+00 : f32
    %broadcast_in_dim3A_55 = vector.shape_cast %lt3A_53 : vector<2304x1xi1> to vector<2304x1xi1>
    %broadcast_in_dim3A_56 = vector.broadcast %broadcast_in_dim3A_55 : vector<2304x1xi1> to vector<2304x32xi1>
    %broadcast_in_dim3A_57 = vector.broadcast %jit3A_54 : f32 to vector<2304x32xf32>
    %select_n3A_58 = arith.select %broadcast_in_dim3A_56, %concatenate3A_50, %broadcast_in_dim3A_57 : vector<2304x32xi1>, vector<2304x32xf32>
    %add3A_59 = arith.addf %mul3A_7, %mul3A_16 : vector<2304x32xf32>
    %add3A_60 = arith.addf %add3A_59, %concatenate3A : vector<2304x32xf32>
    %add3A_61 = arith.addf %add3A_60, %concatenate3A_21 : vector<2304x32xf32>
    %add3A_62 = arith.addf %add3A_61, %select_n3A_48 : vector<2304x32xf32>
    %add3A_63 = arith.addf %add3A_62, %select_n3A_58 : vector<2304x32xf32>
    %jit3A_64 = arith.constant 48 : i32
    %div3A = vector.broadcast %jit3A_64 : i32 to vector<2304x1xi32>
    %div3A_65 = arith.divsi %iota3A, %div3A : vector<2304x1xi32>
    %sign3A = arith.constant 0 : i32
    %sign3A_66 = vector.broadcast %sign3A : i32 to vector<2304x1xi32>
    %sign3A_67 = arith.cmpi sgt, %iota3A, %sign3A_66 : vector<2304x1xi32>
    %sign3A_68 = arith.extui %sign3A_67 : vector<2304x1xi1> to vector<2304x1xi32>
    %sign3A_69 = arith.constant 0 : i32
    %sign3A_70 = vector.broadcast %sign3A_69 : i32 to vector<2304x1xi32>
    %sign3A_71 = arith.cmpi slt, %iota3A, %sign3A_70 : vector<2304x1xi32>
    %sign3A_72 = arith.extui %sign3A_71 : vector<2304x1xi1> to vector<2304x1xi32>
    %sign3A_73 = arith.subi %sign3A_68, %sign3A_72 : vector<2304x1xi32>
    %sign3A_74 = arith.constant 0 : i32
    %sign3A_75 = arith.cmpi sgt, %jit3A_64, %sign3A_74 : i32
    %sign3A_76 = arith.extui %sign3A_75 : i1 to i32
    %sign3A_77 = arith.constant 0 : i32
    %sign3A_78 = arith.cmpi slt, %jit3A_64, %sign3A_77 : i32
    %sign3A_79 = arith.extui %sign3A_78 : i1 to i32
    %sign3A_80 = arith.subi %sign3A_76, %sign3A_79 : i32
    %ne3A_81 = vector.broadcast %sign3A_80 : i32 to vector<2304x1xi32>
    %ne3A_82 = arith.cmpi ne, %sign3A_73, %ne3A_81 : vector<2304x1xi32>
    %rem3A_83 = vector.broadcast %jit3A_64 : i32 to vector<2304x1xi32>
    %rem3A_84 = arith.remsi %iota3A, %rem3A_83 : vector<2304x1xi32>
    %ne3A_85 = arith.constant 0 : i32
    %ne3A_86 = vector.broadcast %ne3A_85 : i32 to vector<2304x1xi32>
    %ne3A_87 = arith.cmpi ne, %rem3A_84, %ne3A_86 : vector<2304x1xi32>
    %and3A_88 = arith.andi %ne3A_82, %ne3A_87 : vector<2304x1xi1>
    %sub3A = arith.constant 1 : i32
    %sub3A_89 = vector.broadcast %sub3A : i32 to vector<2304x1xi32>
    %sub3A_90 = arith.subi %div3A_65, %sub3A_89 : vector<2304x1xi32>
    %select_n3A_91 = arith.select %and3A_88, %sub3A_90, %div3A_65 : vector<2304x1xi1>, vector<2304x1xi32>
    %gt3A_92 = arith.constant 0 : i32
    %gt3A_93 = vector.broadcast %gt3A_92 : i32 to vector<2304x1xi32>
    %gt3A_94 = arith.cmpi sgt, %select_n3A_38, %gt3A_93 : vector<2304x1xi32>
    %convert_element_type3A = arith.extui %gt3A_94 : vector<2304x1xi1> to vector<2304x1xi32>
    %convert_element_type3A_95 = arith.sitofp %convert_element_type3A : vector<2304x1xi32> to vector<2304x1xf32>
    %lt3A_96 = arith.constant 47 : i32
    %lt3A_97 = vector.broadcast %lt3A_96 : i32 to vector<2304x1xi32>
    %lt3A_98 = arith.cmpi slt, %select_n3A_38, %lt3A_97 : vector<2304x1xi32>
    %convert_element_type3A_99 = arith.extui %lt3A_98 : vector<2304x1xi1> to vector<2304x1xi32>
    %convert_element_type3A_100 = arith.sitofp %convert_element_type3A_99 : vector<2304x1xi32> to vector<2304x1xf32>
    %add3A_101 = arith.addf %convert_element_type3A_95, %convert_element_type3A_100 : vector<2304x1xf32>
    %gt3A_102 = arith.constant 0 : i32
    %gt3A_103 = vector.broadcast %gt3A_102 : i32 to vector<2304x1xi32>
    %gt3A_104 = arith.cmpi sgt, %select_n3A_91, %gt3A_103 : vector<2304x1xi32>
    %convert_element_type3A_105 = arith.extui %gt3A_104 : vector<2304x1xi1> to vector<2304x1xi32>
    %convert_element_type3A_106 = arith.sitofp %convert_element_type3A_105 : vector<2304x1xi32> to vector<2304x1xf32>
    %add3A_107 = arith.addf %add3A_101, %convert_element_type3A_106 : vector<2304x1xf32>
    %lt3A_108 = arith.constant 47 : i32
    %lt3A_109 = vector.broadcast %lt3A_108 : i32 to vector<2304x1xi32>
    %lt3A_110 = arith.cmpi slt, %select_n3A_91, %lt3A_109 : vector<2304x1xi32>
    %convert_element_type3A_111 = arith.extui %lt3A_110 : vector<2304x1xi1> to vector<2304x1xi32>
    %convert_element_type3A_112 = arith.sitofp %convert_element_type3A_111 : vector<2304x1xi32> to vector<2304x1xf32>
    %add3A_113 = arith.addf %add3A_107, %convert_element_type3A_112 : vector<2304x1xf32>
    %gt3A_114 = arith.constant 0 : i32
    %gt3A_115 = arith.cmpi sgt, %arg0, %gt3A_114 : i32
    %jit3A_116 = arith.constant 1.000000e+00 : f32
    %jit3A_117 = arith.constant 0.000000e+00 : f32
    %select_n3A_118 = arith.select %gt3A_115, %jit3A_116, %jit3A_117 : f32
    %add3A_119 = vector.broadcast %select_n3A_118 : f32 to vector<2304x1xf32>
    %add3A_120 = arith.addf %add3A_113, %add3A_119 : vector<2304x1xf32>
    %lt3A_121 = arith.constant 47 : i32
    %lt3A_122 = arith.cmpi slt, %arg0, %lt3A_121 : i32
    %jit3A_123 = arith.constant 1.000000e+00 : f32
    %jit3A_124 = arith.constant 0.000000e+00 : f32
    %select_n3A_125 = arith.select %lt3A_122, %jit3A_123, %jit3A_124 : f32
    %add3A_126 = vector.broadcast %select_n3A_125 : f32 to vector<2304x1xf32>
    %add3A_127 = arith.addf %add3A_120, %add3A_126 : vector<2304x1xf32>
    %div3A_128 = vector.broadcast %add3A_127 : vector<2304x1xf32> to vector<2304x32xf32>
    %div3A_129 = arith.divf %add3A_63, %div3A_128 : vector<2304x32xf32>
    %add3A_130 = arith.addf %get3A_1, %div3A_129 : vector<2304x32xf32>
    %get3A_131 = arith.constant 0 : index
    %get3A_132 = arith.constant 0 : index
    %get3A_133 = vector.load %arg4[%get3A_131, %get3A_132] : memref<32x32xf32, #tpu.memory_space<vmem>>, vector<32x32xf32>
    %dot_general3A = arith.constant dense<0.000000e+00> : vector<2304x32xf32>
    %dot_general3A_134 = tpu.matmul %add3A_130, %get3A_133, %dot_general3A {dimension_numbers = #tpu.dot_dimension_numbers<[1], [0], [0], [1], [0, 0, 1, 1], [], []>, transpose_lhs_hint = false} : vector<2304x32xf32>, vector<32x32xf32>, vector<2304x32xf32> -> vector<2304x32xf32>
    %get3A_135 = arith.constant 0 : index
    %get3A_136 = arith.constant 0 : index
    %get3A_137 = vector.load %arg5[%get3A_135, %get3A_136] : memref<1x32xf32, #tpu.memory_space<vmem>>, vector<1x32xf32>
    %add3A_138 = vector.broadcast %get3A_137 : vector<1x32xf32> to vector<2304x32xf32>
    %add3A_139 = arith.addf %dot_general3A_134, %add3A_138 : vector<2304x32xf32>
    %max3A = arith.constant 0.000000e+00 : f32
    %max3A_140 = vector.broadcast %max3A : f32 to vector<2304x32xf32>
    %max3A_141 = arith.maximumf %add3A_139, %max3A_140 : vector<2304x32xf32>
    %slice3A_142 = vector.extract_strided_slice %max3A_141 {offsets = [1, 0], sizes = [2303, 32], strides = [1, 1]} : vector<2304x32xf32> to vector<2303x32xf32>
    %broadcast_in_dim3A_143 = arith.constant 0.000000e+00 : f32
    %broadcast_in_dim3A_144 = vector.broadcast %broadcast_in_dim3A_143 : f32 to vector<1x32xf32>
    %concatenate3A_145 = tpu.concatenate %slice3A_142, %broadcast_in_dim3A_144 in 0 : vector<2303x32xf32>, vector<1x32xf32> -> vector<2304x32xf32>
    %slice3A_146 = vector.extract_strided_slice %max3A_141 {offsets = [48, 0], sizes = [2256, 32], strides = [1, 1]} : vector<2304x32xf32> to vector<2256x32xf32>
    %broadcast_in_dim3A_147 = arith.constant 0.000000e+00 : f32
    %broadcast_in_dim3A_148 = vector.broadcast %broadcast_in_dim3A_147 : f32 to vector<48x32xf32>
    %concatenate3A_149 = tpu.concatenate %slice3A_146, %broadcast_in_dim3A_148 in 0 : vector<2256x32xf32>, vector<48x32xf32> -> vector<2304x32xf32>
    %slice3A_150 = vector.extract_strided_slice %max3A_141 {offsets = [49, 0], sizes = [2255, 32], strides = [1, 1]} : vector<2304x32xf32> to vector<2255x32xf32>
    %broadcast_in_dim3A_151 = arith.constant 0.000000e+00 : f32
    %broadcast_in_dim3A_152 = vector.broadcast %broadcast_in_dim3A_151 : f32 to vector<49x32xf32>
    %concatenate3A_153 = tpu.concatenate %slice3A_150, %broadcast_in_dim3A_152 in 0 : vector<2255x32xf32>, vector<49x32xf32> -> vector<2304x32xf32>
    %concatenate3A_154 = tpu.concatenate %max3A_141, %concatenate3A_145, %concatenate3A_149, %concatenate3A_153 in 1 : vector<2304x32xf32>, vector<2304x32xf32>, vector<2304x32xf32>, vector<2304x32xf32> -> vector<2304x128xf32>
    %swap3A = arith.constant 0 : index
    %swap3A_155 = arith.constant 0 : index
    %swap3A_156 = vector.load %arg6[%swap3A, %swap3A_155] : memref<2304x128xf32, #tpu.memory_space<vmem>>, vector<2304x128xf32>
    tpu.vector_store %arg6[%swap3A, %swap3A_155], %concatenate3A_154 {strides = array<i32>} : memref<2304x128xf32, #tpu.memory_space<vmem>>, vector<2304x128xf32>,
    return
  }
  func.func @transform_0(%arg0: i32) -> (i32, i32) {
    %c0_i32 = arith.constant 0 : i32
    %c0_i32_0 = arith.constant 0 : i32
    return %arg0, %c0_i32 : i32, i32
  }
  func.func @transform_1(%arg0: i32) -> (i32, i32) {
    %sub3A = arith.constant 1 : i32
    %sub3A_0 = arith.subi %arg0, %sub3A : i32
    %max3A = arith.constant 0 : i32
    %max3A_1 = arith.maxsi %sub3A_0, %max3A : i32
    %c0_i32 = arith.constant 0 : i32
    %c0_i32_2 = arith.constant 0 : i32
    return %max3A_1, %c0_i32 : i32, i32
  }
  func.func @transform_2(%arg0: i32) -> (i32, i32) {
    %add3A = arith.constant 1 : i32
    %add3A_0 = arith.addi %arg0, %add3A : i32
    %min3A = arith.constant 47 : i32
    %min3A_1 = arith.minsi %add3A_0, %min3A : i32
    %c0_i32 = arith.constant 0 : i32
    %c0_i32_2 = arith.constant 0 : i32
    return %min3A_1, %c0_i32 : i32, i32
  }
  func.func @transform_3(%arg0: i32) -> (i32, i32) {
    %c0_i32 = arith.constant 0 : i32
    %c0_i32_0 = arith.constant 0 : i32
    %c0_i32_1 = arith.constant 0 : i32
    return %c0_i32, %c0_i32_0 : i32, i32
  }
  func.func @transform_4(%arg0: i32) -> (i32, i32) {
    %c0_i32 = arith.constant 0 : i32
    %c0_i32_0 = arith.constant 0 : i32
    %c0_i32_1 = arith.constant 0 : i32
    return %c0_i32, %c0_i32_0 : i32, i32
  }
  func.func @transform_5(%arg0: i32) -> (i32, i32) {
    %c0_i32 = arith.constant 0 : i32
    %c0_i32_0 = arith.constant 0 : i32
    return %arg0, %c0_i32 : i32, i32
  }
}

module attributes {stable_mosaic.version = 14 : i64} {
  func.func @_reduce_kernel(%arg0: i32, %arg1: memref<2048x128xf32, #tpu.memory_space<vmem>>, %arg2: memref<2048x128xf32, #tpu.memory_space<vmem>>, %arg3: memref<2048x6xf32, #tpu.memory_space<vmem>>, %arg4: memref<2048x32xf32, #tpu.memory_space<vmem>>) attributes {dimension_semantics = [#tpu.dimension_semantics<arbitrary>], iteration_bounds = array<i64: 50>, scalar_prefetch = 0 : i64, scratch_operands = 0 : i64, tpu.core_type = #tpu.core_type<tc>, window_params = [{transform_indices = @transform_0, window_bounds = array<i64: 2048, 128>}, {transform_indices = @transform_1, window_bounds = array<i64: 2048, 128>}, {transform_indices = @transform_2, window_bounds = array<i64: 2048, 6>}, {transform_indices = @transform_3, window_bounds = array<i64: 2048, 32>}]} {
    %get3A = arith.constant 0 : index
    %get3A_0 = arith.constant 0 : index
    %get3A_1 = vector.load %arg3[%get3A, %get3A_0] : memref<2048x6xf32, #tpu.memory_space<vmem>>, vector<2048x6xf32>
    %get3A_2 = arith.constant 0 : index
    %get3A_3 = arith.constant 0 : index
    %get3A_4 = vector.load %arg1[%get3A_2, %get3A_3] : memref<2048x128xf32, #tpu.memory_space<vmem>>, vector<2048x128xf32>
    %slice3A = vector.extract_strided_slice %get3A_1 {offsets = [0, 0], sizes = [2048, 1], strides = [1, 1]} : vector<2048x6xf32> to vector<2048x1xf32>
    %mul3A = vector.broadcast %slice3A : vector<2048x1xf32> to vector<2048x128xf32>
    %mul3A_5 = arith.mulf %get3A_4, %mul3A : vector<2048x128xf32>
    %get3A_6 = arith.constant 0 : index
    %get3A_7 = arith.constant 0 : index
    %get3A_8 = vector.load %arg2[%get3A_6, %get3A_7] : memref<2048x128xf32, #tpu.memory_space<vmem>>, vector<2048x128xf32>
    %slice3A_9 = vector.extract_strided_slice %get3A_1 {offsets = [0, 1], sizes = [2048, 1], strides = [1, 1]} : vector<2048x6xf32> to vector<2048x1xf32>
    %mul3A_10 = vector.broadcast %slice3A_9 : vector<2048x1xf32> to vector<2048x128xf32>
    %mul3A_11 = arith.mulf %get3A_8, %mul3A_10 : vector<2048x128xf32>
    %add3A = arith.addf %mul3A_5, %mul3A_11 : vector<2048x128xf32>
    %iota3A = tpu.iota {dimensions = array<i32: 1>} : vector<4x128xi32>
    %jit3A = arith.constant 32 : i32
    %div3A = vector.broadcast %jit3A : i32 to vector<4x128xi32>
    %div3A_12 = arith.divsi %iota3A, %div3A : vector<4x128xi32>
    %sign3A = arith.constant 0 : i32
    %sign3A_13 = vector.broadcast %sign3A : i32 to vector<4x128xi32>
    %sign3A_14 = arith.cmpi sgt, %iota3A, %sign3A_13 : vector<4x128xi32>
    %sign3A_15 = arith.extui %sign3A_14 : vector<4x128xi1> to vector<4x128xi32>
    %sign3A_16 = arith.constant 0 : i32
    %sign3A_17 = vector.broadcast %sign3A_16 : i32 to vector<4x128xi32>
    %sign3A_18 = arith.cmpi slt, %iota3A, %sign3A_17 : vector<4x128xi32>
    %sign3A_19 = arith.extui %sign3A_18 : vector<4x128xi1> to vector<4x128xi32>
    %sign3A_20 = arith.subi %sign3A_15, %sign3A_19 : vector<4x128xi32>
    %sign3A_21 = arith.constant 0 : i32
    %sign3A_22 = arith.cmpi sgt, %jit3A, %sign3A_21 : i32
    %sign3A_23 = arith.extui %sign3A_22 : i1 to i32
    %sign3A_24 = arith.constant 0 : i32
    %sign3A_25 = arith.cmpi slt, %jit3A, %sign3A_24 : i32
    %sign3A_26 = arith.extui %sign3A_25 : i1 to i32
    %sign3A_27 = arith.subi %sign3A_23, %sign3A_26 : i32
    %ne3A = vector.broadcast %sign3A_27 : i32 to vector<4x128xi32>
    %ne3A_28 = arith.cmpi ne, %sign3A_20, %ne3A : vector<4x128xi32>
    %rem3A = vector.broadcast %jit3A : i32 to vector<4x128xi32>
    %rem3A_29 = arith.remsi %iota3A, %rem3A : vector<4x128xi32>
    %ne3A_30 = arith.constant 0 : i32
    %ne3A_31 = vector.broadcast %ne3A_30 : i32 to vector<4x128xi32>
    %ne3A_32 = arith.cmpi ne, %rem3A_29, %ne3A_31 : vector<4x128xi32>
    %and3A = arith.andi %ne3A_28, %ne3A_32 : vector<4x128xi1>
    %sub3A = arith.constant 1 : i32
    %sub3A_33 = vector.broadcast %sub3A : i32 to vector<4x128xi32>
    %sub3A_34 = arith.subi %div3A_12, %sub3A_33 : vector<4x128xi32>
    %select_n3A = arith.select %and3A, %sub3A_34, %div3A_12 : vector<4x128xi1>, vector<4x128xi32>
    %iota3A_35 = tpu.iota {dimensions = array<i32: 0>} : vector<4x128xi32>
    %eq3A = arith.cmpi eq, %select_n3A, %iota3A_35 : vector<4x128xi32>
    %convert_element_type3A = arith.extui %eq3A : vector<4x128xi1> to vector<4x128xi32>
    %convert_element_type3A_36 = arith.sitofp %convert_element_type3A : vector<4x128xi32> to vector<4x128xf32>
    %slice3A_37 = vector.extract_strided_slice %get3A_1 {offsets = [0, 2], sizes = [2048, 4], strides = [1, 1]} : vector<2048x6xf32> to vector<2048x4xf32>
    %convert_element_type3A_38 = arith.truncf %slice3A_37 : vector<2048x4xf32> to vector<2048x4xbf16>
    %convert_element_type3A_39 = arith.extf %convert_element_type3A_38 : vector<2048x4xbf16> to vector<2048x4xf32>
    %sub3A_40 = arith.subf %slice3A_37, %convert_element_type3A_39 : vector<2048x4xf32>
    %dot_general3A = arith.constant dense<0.000000e+00> : vector<2048x128xf32>
    %dot_general3A_41 = tpu.matmul %convert_element_type3A_39, %convert_element_type3A_36, %dot_general3A {dimension_numbers = #tpu.dot_dimension_numbers<[1], [0], [0], [1], [0, 0, 1, 1], [], []>, transpose_lhs_hint = false} : vector<2048x4xf32>, vector<4x128xf32>, vector<2048x128xf32> -> vector<2048x128xf32>
    %dot_general3A_42 = arith.constant dense<0.000000e+00> : vector<2048x128xf32>
    %dot_general3A_43 = tpu.matmul %sub3A_40, %convert_element_type3A_36, %dot_general3A_42 {dimension_numbers = #tpu.dot_dimension_numbers<[1], [0], [0], [1], [0, 0, 1, 1], [], []>, transpose_lhs_hint = false} : vector<2048x4xf32>, vector<4x128xf32>, vector<2048x128xf32> -> vector<2048x128xf32>
    %add3A_44 = arith.addf %dot_general3A_41, %dot_general3A_43 : vector<2048x128xf32>
    %mul3A_45 = arith.mulf %add3A, %add3A_44 : vector<2048x128xf32>
    %slice3A_46 = vector.extract_strided_slice %mul3A_45 {offsets = [0, 0], sizes = [2048, 32], strides = [1, 1]} : vector<2048x128xf32> to vector<2048x32xf32>
    %slice3A_47 = vector.extract_strided_slice %mul3A_45 {offsets = [0, 32], sizes = [2048, 32], strides = [1, 1]} : vector<2048x128xf32> to vector<2048x32xf32>
    %add3A_48 = arith.addf %slice3A_46, %slice3A_47 : vector<2048x32xf32>
    %slice3A_49 = vector.extract_strided_slice %mul3A_45 {offsets = [0, 64], sizes = [2048, 32], strides = [1, 1]} : vector<2048x128xf32> to vector<2048x32xf32>
    %slice3A_50 = vector.extract_strided_slice %mul3A_45 {offsets = [0, 96], sizes = [2048, 32], strides = [1, 1]} : vector<2048x128xf32> to vector<2048x32xf32>
    %add3A_51 = arith.addf %slice3A_49, %slice3A_50 : vector<2048x32xf32>
    %add3A_52 = arith.addf %add3A_48, %add3A_51 : vector<2048x32xf32>
    %swap3A = arith.constant 0 : index
    %swap3A_53 = arith.constant 0 : index
    %swap3A_54 = vector.load %arg4[%swap3A, %swap3A_53] : memref<2048x32xf32, #tpu.memory_space<vmem>>, vector<2048x32xf32>
    tpu.vector_store %arg4[%swap3A, %swap3A_53], %add3A_52 {strides = array<i32>} : memref<2048x32xf32, #tpu.memory_space<vmem>>, vector<2048x32xf32>,
    return
  }
  func.func @transform_0(%arg0: i32) -> (i32, i32) {
    %c0_i32 = arith.constant 0 : i32
    %c0_i32_0 = arith.constant 0 : i32
    return %arg0, %c0_i32 : i32, i32
  }
  func.func @transform_1(%arg0: i32) -> (i32, i32) {
    %add3A = arith.constant 50 : i32
    %add3A_0 = arith.addi %arg0, %add3A : i32
    %c0_i32 = arith.constant 0 : i32
    %c0_i32_1 = arith.constant 0 : i32
    return %add3A_0, %c0_i32 : i32, i32
  }
  func.func @transform_2(%arg0: i32) -> (i32, i32) {
    %c0_i32 = arith.constant 0 : i32
    %c0_i32_0 = arith.constant 0 : i32
    return %arg0, %c0_i32 : i32, i32
  }
  func.func @transform_3(%arg0: i32) -> (i32, i32) {
    %c0_i32 = arith.constant 0 : i32
    %c0_i32_0 = arith.constant 0 : i32
    return %arg0, %c0_i32 : i32, i32
  }
}

</mosaic_0001>

<sc_bundles>
// kernel: kernel.6.cloned.1.call-start
scs
__scs_entry_jumppad:
0x0: {  	(pc) =	sbr.rel $0x88, $3  }
0x1: {  	(tag) =	ssettag $0x0;
	lr =	simm.s32 $0x1  }
0x2: {  	[smem:$0x3F9D] =	sst lr;
	_ =	strace $0xD0000000  }
0x3: {  	_ = 	snop  }
0x4: {  	_ = 	snop  }
0x5: {  	_ = 	snop  }
0x6: {  	_ = 	snop  }
0x7: {  	_ = 	snop  }
__scs_overlays_trampoline_lowered:
0x8: {  	[smem:$0x3FAC] =	sst s0  }
0x9: {  	[smem:$0x3FAD] =	sst s1  }
0xa: {  	[smem:$0x3FAE] =	sst s2  }
0xb: {  	[smem:$0x3FAF] =	sst s3  }
0xc: {  	[smem:$0x3FB0] =	sst s4  }
0xd: {  	[smem:$0x3FB1] =	sst s5  }
0xe: {  	[smem:$0x3FB2] =	sst s6  }
0xf: {  	[smem:$0x3FB3] =	sst s7  }
0x10: {  	[smem:$0x3FB4] =	sst s8  }
0x11: {  	[smem:$0x3FB5] =	sst s9;
	s0 =	simm.s32 @!p0 $0x0  }
0x12: {  	s1 =	sld [smem:$0x3F9B];
	s0 =	simm.s32 @p0 $0x1  }
0x13: {  	[smem:$0x3FB6] =	sst s0;
	s0 =	simm.s32 @!p1 $0x0  }
0x14: {  	s2 =	sld [smem:$0x3F9A];
	s0 =	simm.s32 @p1 $0x1  }
0x15: {  	[smem:$0x3FB7] =	sst s0;
	s0 =	simm.s32 @!p2 $0x0  }
0x16: {  	s3 =	sld [smem:$0x3FDB];
	s0 =	simm.s32 @p2 $0x1  }
0x17: {  	s4 =	simm.s32 $0x1BF5;
	[smem:$0x3FB9] =	sst s0  }
0x18: {  	s0 =	sld [smem:$0x3F9C];
	_ =	swait.ge [sflag:s4], $0x0  }
0x19: {  	s7 =	sld [smem:$0x3F9D]  }
0x1a: {  	s8 =	sadd.s32 $0xFFFFE003, lr  }
0x1b: {  	s9 =	sadd.s32 $0xFFFFFEF7, lr;
	s5 =	simm.s32 $0xFFFFFFFF;
	p2 =	slt.u32 s8, $0xFFFFF086  }
0x1c: {  	p1 =	slt.u32 s9, $0xF7A;
	s5 =	simm.s32 @!p2 $0x0  }
0x1d: {  	s5 =	simm.s32 @p1 $0x1;
	p0 =	seq.s32 s7, s2  }
0x1e: {  	s7 =	smul.u32 @!p0 $0xF7A, s2;
	p2 =	seq.s32 @!p0 s5, $0x0  }
0x1f: {  	s9 =	smul.u32 $0xF7A, s1;
	s8 =	simm.s32 @!p0 $0x1BF5;
	p2 =	por !p2, p0  }
0x20: {  	[sflag:s8] =	ssyncset.s32 @!p0 $0xFFFFF086;
	s6 =	sadd.s32 @!p0 s3, s7;
	s7 =	simm.s32 @!p0 $0x108  }
0x21: {  	s3 =	sadd.s32 s3, s9;
	s6 =	sadd.s32 @!p0 $0x88, s6;
	s7 =	simm.s32 @p2 $0x1082  }
0x22: {  	[simem:s7], [sflag:s8] =	dma.local @!p0 [hbm:s6], $0xF7A  }
0x23: {  	s9 =	sor.u32 $0xD0000000, s2;
	s6 =	simm.s32 $0x108;
	_ =	swait.ge @!p0 [sflag:s8], $0x0  }
0x24: {  	s3 =	sadd.s32 $0x88, s3;
	s6 =	simm.s32 @!p1 $0x1082;
	[sflag:s4] =	ssyncset.s32 $0xFFFFF086  }
0x25: {  	[simem:s6], [sflag:s4] =	dma.local [hbm:s3], $0xF7A  }
0x26: {  	[smem:$0x3F9D] =	sst s1;
	(tag) =	ssettag s2;
	_ =	strace s9  }
0x27: {  	s1 =	sld [smem:$0x3FAD]  }
0x28: {  	s2 =	sld [smem:$0x3FAE]  }
0x29: {  	s4 =	sld [smem:$0x3FB0]  }
0x2a: {  	p0 =	seq.s32 s5, $0x0;
	s5 =	sld [smem:$0x3FB1]  }
0x2b: {  	s6 =	sld [smem:$0x3FB2]  }
0x2c: {  	s7 =	sld [smem:$0x3FB3]  }
0x2d: {  	s3 =	simm.s32 $0x108;
	s8 =	sld [smem:$0x3FB4]  }
0x2e: {  	s3 =	simm.s32 @!p0 $0x1082;
	s9 =	sld [smem:$0x3FB5]  }
0x2f: {  	lr =	sadd.s32 s0, s3;
	s0 =	sld [smem:$0x3FAC]  }
0x30: {  	s3 =	sld [smem:$0x3FAF]  }
0x31: {  	[smem:$0x3FB8] =	sst s10  }
0x32: {  	s10 =	sld [smem:$0x3FB6];
	_ =	sdelay $0x3  }
0x33: {  	p0 =	seq.s32 s10, $0x1;
	s10 =	sld [smem:$0x3FB8];
	_ =	sdelay $0x3  }
0x34: {  	[smem:$0x3FB8] =	sst s10  }
0x35: {  	s10 =	sld [smem:$0x3FB7];
	_ =	sdelay $0x3  }
0x36: {  	p1 =	seq.s32 s10, $0x1;
	s10 =	sld [smem:$0x3FB8];
	_ =	sdelay $0x3  }
0x37: {  	[smem:$0x3FB8] =	sst s10  }
0x38: {  	s10 =	sld [smem:$0x3FB9]  }
0x39: {  	_ = 	snop;
	(pc) =	sbr.ind lr, $3  }
0x3a: {  	_ = 	snop  }
0x3b: {  	_ = 	snop  }
0x3c: {  	p2 =	seq.s32 s10, $0x1;
	s10 =	sld [smem:$0x3FB8]  }
0x3d: {  	_ =	shalt  }
0x3e: {  	_ =	shalt  }
0x3f: {  	_ =	shalt  }
0x40: {  	_ =	shalt  }
0x41: {  	_ =	shalt  }
0x42: {  	_ =	shalt  }
0x43: {  	_ =	shalt  }
0x44: {  	_ =	shalt  }
0x45: {  	_ =	shalt  }
0x46: {  	_ =	shalt  }
0x47: {  	_ =	shalt  }
0x48: {  	_ =	shalt  }
0x49: {  	_ =	shalt  }
0x4a: {  	_ =	shalt  }
0x4b: {  	_ =	shalt  }
0x4c: {  	_ =	shalt  }
0x4d: {  	_ =	shalt  }
0x4e: {  	_ =	shalt  }
0x4f: {  	_ =	shalt  }
0x50: {  	_ =	shalt  }
0x51: {  	_ =	shalt  }
0x52: {  	_ =	shalt  }
0x53: {  	_ =	shalt  }
0x54: {  	_ =	shalt  }
0x55: {  	_ =	shalt  }
0x56: {  	_ =	shalt  }
0x57: {  	_ =	shalt  }
0x58: {  	_ =	shalt  }
0x59: {  	_ =	shalt  }
0x5a: {  	_ =	shalt  }
0x5b: {  	_ =	shalt  }
0x5c: {  	_ =	shalt  }
0x5d: {  	_ =	shalt  }
0x5e: {  	_ =	shalt  }
0x5f: {  	_ =	shalt  }
0x60: {  	_ =	shalt  }
0x61: {  	_ =	shalt  }
0x62: {  	_ =	shalt  }
0x63: {  	_ =	shalt  }
0x64: {  	_ =	shalt  }
0x65: {  	_ =	shalt  }
0x66: {  	_ =	shalt  }
0x67: {  	_ =	shalt  }
0x68: {  	_ =	shalt  }
0x69: {  	_ =	shalt  }
0x6a: {  	_ =	shalt  }
0x6b: {  	_ =	shalt  }
0x6c: {  	_ =	shalt  }
0x6d: {  	_ =	shalt  }
0x6e: {  	_ =	shalt  }
0x6f: {  	_ =	shalt  }
0x70: {  	_ =	shalt  }
0x71: {  	_ =	shalt  }
0x72: {  	_ =	shalt  }
0x73: {  	_ =	shalt  }
0x74: {  	_ =	shalt  }
0x75: {  	_ =	shalt  }
0x76: {  	_ =	shalt  }
0x77: {  	_ =	shalt  }
0x78: {  	_ =	shalt  }
0x79: {  	_ =	shalt  }
0x7a: {  	_ =	shalt  }
0x7b: {  	_ =	shalt  }
0x7c: {  	_ =	shalt  }
0x7d: {  	_ =	shalt  }
0x7e: {  	_ =	shalt  }
0x7f: {  	_ =	shalt  }
0x80: {  	_ =	shalt  }
0x81: {  	_ =	shalt  }
0x82: {  	_ =	shalt  }
0x83: {  	_ =	shalt  }
0x84: {  	_ =	shalt  }
0x85: {  	_ =	shalt  }
0x86: {  	_ =	shalt  }
0x87: {  	_ =	shalt  }
.Lfunc_end0:
.L_simem_size_0:
called_computation_lowered:
.L_overlay_start_0:
0x88: {  	s2 =	sld [smem:$0x3FD9]  }
0x89: {  	s3 =	sld [smem:$0x3FFE];
	_ =	sdelay $0x1  }
0x8a: {  	s1 =	srdreg.scid  }
0x8b: {  	s0 =	sand.u32 $0x1, s1  }
0x8c: {  	s16 =	sshll.u32 s0, $0xA;
	s2 =	sadd.s32 s3, s2  }
0x8d: {  	s2 =	sadd.s32 s2, s16  }
0x8e: {  	[smem:$0x3FC4] =	sst s2  }
0x8f: {  	_ = 	snop  }
0x90: {  	(tm) =	ssettm $0x1  }
0x91: {  	s17 =	sld [smem:$0x3FFB];
	_ =	sdelay $0x3  }
0x92: {  	_ =	strace s17  }
0x93: {  	s2 =	sld [smem:$0x3FFC];
	_ =	sdelay $0x3  }
0x94: {  	_ =	strace s2  }
0x95: {  	s2 =	sld [smem:$0x3FFD];
	_ =	sdelay $0x3  }
0x96: {  	_ =	strace s2  }
0x97: {  	_ =	strace $0x8FFFFFFF  }
0x98: {  	s18 =	sld [smem:$0x3FDB];
	_ =	sdelay $0x1  }
0x99: {  	s19 =	simm.s32 $_scs_section_size  }
0x9a: {  	s4 =	simm.s32 $_size__tile_overlayer_lowered;
	s5 =	simm.s32 $_tile_overlayer_lowered  }
0x9b: {  	s22 =	simm.s32 $0x1BFF;
	s21 =	sshll.u32 s5, $0x1;
	s2 =	sadd.s32 s19, s18  }
0x9c: {  	s6 =	simm.s32 $0x0;
	s20 =	sshll.u32 s4, $0x1;
	s4 =	sadd.s32 s21, s2  }
0x9d: {  	[timem:s6], [sflag:s22] =	dma.local [hbm:s4], s20  }
0x9e: {  	_ =	swait.ge [sflag:s22], s20  }
0x9f: {  	s3 =	ssub.s32 $0x0, s20;
	[sflag:s22] =	ssyncset.done $0x0  }
0xa0: {  	[sflag:s22] =	ssyncadd.s32 s3;
	_ =	sdelay $0x1  }
0xa1: {  	s23 =	simm.s32 $0x1B8B  }
0xa2: {  	_ =	swait.ge [sflag:s23], $0x1  }
0xa3: {  	[sflag:s23] =	ssyncset.done $0x0  }
0xa4: {  	s25 =	simm.s32 $0x1B8E;
	s24 =	sld [smem:$0x3FFE];
	[sflag:s23] =	ssyncadd.s32 $0xFFFFFFFF  }
0xa5: {  	s26 =	simm.s32 $execute0_lowered;
	[smem:$0x3FD2] =	sst s25  }
0xa6: {  	s4 =	sshll.u32 s26, $0x1;
	_ =	strace $0x80000046;
	[dreg:$0x1] =	wrdreg $0xFFFFFFFF  }
0xa7: {  	s28 =	simm.s32 $_size_execute0_lowered;
	s2 =	sadd.s32 s2, s4;
	[dreg:$0x0] =	wrdreg $0x0  }
0xa8: {  	s4 =	sshll.u32 s28, $0x1;
	[dreg:$0x2] =	wrdreg s2  }
0xa9: {  	[dreg:$0x3] =	wrdreg s4  }
0xaa: {  	[dreg:$0x4] =	wrdreg $0xC0  }
0xab: {  	_ =	task [dreg:s6], $0x5FFFF  }
0xac: {  	[dreg:$0x1] =	wrdreg $0xFFFFFFFF  }
0xad: {  	[dreg:$0x0] =	wrdreg $0x60  }
0xae: {  	[dreg:$0x2] =	wrdreg s24  }
0xaf: {  	[dreg:$0x3] =	wrdreg $0x9  }
0xb0: {  	_ =	task.clear_ibuf [dreg:s6], $0x4FFFF;
	_ =	strace $0x90000046  }
0xb1: {  	s29 =	simm.s32 $0x9;
	_ =	strace $0x80000048  }
0xb2: {  	_ =	swait.ge [sflag:s29], $0x1  }
0xb3: {  	[sflag:s29] =	ssyncadd.s32 $0xFFFFFFFF  }
0xb4: {  	_ =	strace $0x90000048  }
0xb5: {  	_ =	sfence  }
0xb6: {  	s30 =	sld [smem:$0x0];
	_ =	sdelay $0x2  }
0xb7: {  	s31 =	sshll.u32 s1, $0xD;
	s1 =	sshrl.u32 s1, $0x2  }
0xb8: {  	s3 =	sand.u32 $0x4000, s31;
	s1 =	sadd.s32 s1, s30  }
0xb9: {  	s0 =	sor.u32 s3, s0;
	s1 =	sshll.u32 s1, $0x11  }
0xba: {  	s0 =	sor.u32 s1, s0  }
0xbb: {  	s0 =	sadd.s32 $0x8F2B, s0  }
0xbc: {  	[sflag:s0] =	ssyncadd.remote.s32 $0x1  }
0xbd: {  	_ =	sfence.sel $0xFFFF  }
0xbe: {  	[dreg:$0x0] =	wrdreg $0xFFFFFFFF;
	(pc) =	sbr.abs _section_cstart, $3  }
0xbf: {  	[dreg:$0x1] =	wrdreg $0xFFFFFFFF  }
0xc0: {  	_ =	task.clear_ibuf [dreg:s6], $0x2FFFF;
	_ =	strace $0x9FFFFFFF  }
0xc1: {  	(tm) =	ssettm $0x7FFFFFFF  }
tec
execute0_lowered:
.L_overlay_start_1:
0x0: {  	(tag) =	ssettag $0x1  }
0x1: {  	s4 =	rddreg [dreg:$0x0];
	s2 =	simm.s32 $0x0  }
0x2: {  	s3 =	srdreg.scid;
	s0 =	stileid.u32;
	s20 =	simm.s32 $0x100  }
0x3: {  	s21 =	simm.s32 $0x4100;
	s22 =	simm.s32 $0x1;
	s23 =	simm.s32 $0x3  }
0x4: {  	s24 =	simm.s32 $0x2;
	[smem:$0x7FF] =	sst s2;
	s13 =	smul.u32 $0x3200, s0  }
0x5: {  	s11 =	sand.u32 $0x1, s3;
	s25 =	sshll.u32 s0, $0x1;
	s15 =	smul.u32 $0x190000, s0  }
0x6: {  	s3 =	sadd.s32 $0x1B7200, s4;
	s17 =	sadd.s32 $0xE00, s4;
	s14 =	smul.u32 $0x1900, s11  }
0x7: {  	s4 =	sadd.s32 $0x367200, s4;
	s5 =	sor.u32 s11, s25;
	s16 =	smul.u32 $0xC8000, s11  }
0x8: {  	_ =	strace $0x80000047;
	s7 =	ssub.s32 $0x2, s11;
	s6 =	smul.u32 $0x1900, s5  }
0x9: {  	s25 =	simm.s32 $0x4;
	s8 =	sshrl.u32 s7, $0x1;
	s9 =	smul.u32 $0xC8000, s5  }
0xa: {  	s7 =	ssub.s32 s7, s8;
	s14 =	sadd.s32 s14, s13;
	s15 =	sadd.s32 s16, s15  }
0xb: {  	s6 =	sshrl.u32 s6, $0x3;
	s26 =	sshrl.u32 s9, $0x3;
	s18 =	sadd.s32 $0x200, s14  }
0xc: {  	s29 =	sadd.s32 $0xC000, s15;
	s19 =	sadd.s32 $0x180, s14;
	s15 =	sadd.s32 $0x8000, s15  }
0xd: {  	s5 =	sadd.s32 s17, s6;
	s6 =	smax.u32 s7, $0x1;
	s8 =	sadd.s32 s4, s26  }
0xe: {  	s28 =	sshrl.u32 s18, $0x3;
	s30 =	sshrl.u32 s29, $0x3;
	s31 =	sshrl.u32 s19, $0x3  }
0xf: {  	s18 =	simm.s32 $0x5;
	s19 =	simm.s32 $0x80;
	s26 =	simm.s32 $0x0  }
0x10: {  	s7 =	sadd.s32 $0x10, s5;
	s9 =	sadd.s32 $0x20, s5;
	s10 =	sadd.s32 $0x800, s8  }
0x11: {  	s11 =	sadd.s32 $0x310, s5;
	s12 =	sadd.s32 $0x18000, s8;
	s13 =	sadd.s32 $0x18800, s8  }
0x12: {  	s14 =	sadd.s32 s28, s17;
	s16 =	sadd.s32 s30, s4;
	s17 =	sadd.s32 s31, s17  }
.LBB2_1:
0x13: {  	[tilespmem:s2], [sflag:$0x5] =	stream.linear.gather [hbm4b:s5+s2], $0x80, $0x38;
	[tilespmem:$0x8100] =	vst v63  }
0x14: {  	_ =	swait.ge [sflag:s18], $0x80  }
0x15: {  	[sflag:s18] =	ssyncset.done $0x0  }
0x16: {  	[sflag:s18] =	ssyncadd.s32 $0xFFFFFF80  }
0x17: {  	[tilespmem:s20], [sflag:$0x1] =	stream.indirect.gather [hbm4b:s3+s19], $0x80, s2, s19, $0xb8;
	[tilespmem:$0x8100] =	vst v63  }
0x18: {  	_ = 	snop  }
0x19: {  	[tilespmem:s19], [sflag:$0x5] =	stream.linear.gather [hbm4b:s7+s2], $0x80, $0x38;
	[tilespmem:$0x8100] =	vst v63  }
0x1a: {  	_ =	swait.ge [sflag:s18], $0x80  }
0x1b: {  	[sflag:s18] =	ssyncset.done $0x0  }
0x1c: {  	[sflag:s18] =	ssyncadd.s32 $0xFFFFFF80  }
0x1d: {  	[tilespmem:s21], [sflag:$0x2] =	stream.indirect.gather [hbm4b:s3+s19], $0x80, s19, s19, $0xb8;
	[tilespmem:$0x8100] =	vst v63  }
0x1e: {  	_ =	swait.ge [sflag:s22], $0x4000  }
0x1f: {  	[sflag:s22] =	ssyncset.done $0x0  }
0x20: {  	[sflag:s22] =	ssyncadd.s32 $0xFFFFC000  }
0x21: {  	[hbm4b:s8+s2] =	stream.linear.scatter [tilespmem:s20], [sflag:$0x3], $0x4000, $0x38;
	[tilespmem:$0x8100] =	vst v63  }
0x22: {  	_ =	swait.ge [sflag:s23], $0x4000  }
0x23: {  	[sflag:s23] =	ssyncset.done $0x0  }
0x24: {  	[sflag:s23] =	ssyncadd.s32 $0xFFFFC000  }
0x25: {  	[tilespmem:s2], [sflag:$0x5] =	stream.linear.gather [hbm4b:s9+s2], $0x80, $0x38;
	[tilespmem:$0x8100] =	vst v63  }
0x26: {  	_ =	swait.ge [sflag:s18], $0x80  }
0x27: {  	[sflag:s18] =	ssyncset.done $0x0  }
0x28: {  	[sflag:s18] =	ssyncadd.s32 $0xFFFFFF80  }
0x29: {  	[tilespmem:s20], [sflag:$0x1] =	stream.indirect.gather [hbm4b:s3+s19], $0x80, s2, s19, $0xb8;
	[tilespmem:$0x8100] =	vst v63  }
0x2a: {  	_ =	swait.ge [sflag:s24], $0x4000  }
0x2b: {  	[sflag:s24] =	ssyncset.done $0x0  }
0x2c: {  	[sflag:s24] =	ssyncadd.s32 $0xFFFFC000  }
0x2d: {  	[hbm4b:s10+s2] =	stream.linear.scatter [tilespmem:s21], [sflag:$0x4], $0x4000, $0x38;
	[tilespmem:$0x8100] =	vst v63  }
0x2e: {  	_ =	swait.ge [sflag:s25], $0x4000  }
0x2f: {  	[sflag:s25] =	ssyncset.done $0x0  }
0x30: {  	s28 =	sadd.s32 $0x0, s17;
	[sflag:s25] =	ssyncadd.s32 $0xFFFFC000  }
0x31: {  	[tilespmem:s19], [sflag:$0x5] =	stream.linear.gather [hbm4b:s28+s2], $0x80, $0x38;
	[tilespmem:$0x8100] =	vst v63  }
0x32: {  	_ =	swait.ge [sflag:s18], $0x80  }
0x33: {  	[sflag:s18] =	ssyncset.done $0x0  }
0x34: {  	[sflag:s18] =	ssyncadd.s32 $0xFFFFFF80  }
0x35: {  	[tilespmem:s21], [sflag:$0x2] =	stream.indirect.gather [hbm4b:s3+s19], $0x80, s19, s19, $0xb8;
	[tilespmem:$0x8100] =	vst v63  }
0x36: {  	_ =	swait.ge [sflag:s22], $0x4000  }
0x37: {  	s28 =	sshrl.u32 s15, $0x3;
	[sflag:s22] =	ssyncset.done $0x0  }
0x38: {  	s28 =	sadd.s32 s4, s28;
	[sflag:s22] =	ssyncadd.s32 $0xFFFFC000  }
0x39: {  	[hbm4b:s28+s2] =	stream.linear.scatter [tilespmem:s20], [sflag:$0x3], $0x4000, $0x38;
	[tilespmem:$0x8100] =	vst v63  }
0x3a: {  	_ =	swait.ge [sflag:s23], $0x4000  }
0x3b: {  	[sflag:s23] =	ssyncset.done $0x0  }
0x3c: {  	s28 =	sadd.s32 $0x0, s14;
	[sflag:s23] =	ssyncadd.s32 $0xFFFFC000  }
0x3d: {  	[tilespmem:s2], [sflag:$0x5] =	stream.linear.gather [hbm4b:s28+s2], $0x80, $0x38;
	[tilespmem:$0x8100] =	vst v63  }
0x3e: {  	_ =	swait.ge [sflag:s18], $0x80  }
0x3f: {  	[sflag:s18] =	ssyncset.done $0x0  }
0x40: {  	[sflag:s18] =	ssyncadd.s32 $0xFFFFFF80  }
0x41: {  	[tilespmem:s20], [sflag:$0x1] =	stream.indirect.gather [hbm4b:s3+s19], $0x80, s2, s19, $0xb8;
	[tilespmem:$0x8100] =	vst v63  }
0x42: {  	_ =	swait.ge [sflag:s24], $0x4000  }
0x43: {  	s29 =	sadd.s32 $0x8000, s15;
	s30 =	sadd.s32 $0x1000, s16;
	[sflag:s24] =	ssyncset.done $0x0  }
0x44: {  	s31 =	smov.u32 s16;
	s28 =	simm.s32 $0x20;
	[sflag:s24] =	ssyncadd.s32 $0xFFFFC000  }
.LBB2_2:
0x45: {  	[hbm4b:s31+s2] =	stream.linear.scatter [tilespmem:s21], [sflag:$0x4], $0x4000, $0x38;
	[tilespmem:$0x8100] =	vst v63  }
0x46: {  	s0 =	smov.u32 s28;
	s31 =	smov.u32 s30  }
0x47: {  	p0 =	sne.s32 s28, $0x2C0;
	s28 =	sadd.s32 $0x20, s28;
	_ =	swait.ge [sflag:s25], $0x4000  }
0x48: {  	[sflag:s25] =	ssyncset.done $0x0  }
0x49: {  	s1 =	sadd.s32 s0, s17;
	[sflag:s25] =	ssyncadd.s32 $0xFFFFC000  }
0x4a: {  	[tilespmem:s19], [sflag:$0x5] =	stream.linear.gather [hbm4b:s1+s2], $0x80, $0x38;
	[tilespmem:$0x8100] =	vst v63  }
0x4b: {  	_ =	swait.ge [sflag:s18], $0x80  }
0x4c: {  	[sflag:s18] =	ssyncset.done $0x0  }
0x4d: {  	[sflag:s18] =	ssyncadd.s32 $0xFFFFFF80  }
0x4e: {  	[tilespmem:s21], [sflag:$0x2] =	stream.indirect.gather [hbm4b:s3+s19], $0x80, s19, s19, $0xb8;
	[tilespmem:$0x8100] =	vst v63  }
0x4f: {  	_ =	swait.ge [sflag:s22], $0x4000  }
0x50: {  	s1 =	sshrl.u32 s29, $0x3;
	[sflag:s22] =	ssyncset.done $0x0  }
0x51: {  	s1 =	sadd.s32 s4, s1;
	[sflag:s22] =	ssyncadd.s32 $0xFFFFC000  }
0x52: {  	[hbm4b:s1+s2] =	stream.linear.scatter [tilespmem:s20], [sflag:$0x3], $0x4000, $0x38;
	[tilespmem:$0x8100] =	vst v63  }
0x53: {  	_ =	swait.ge [sflag:s23], $0x4000  }
0x54: {  	[sflag:s23] =	ssyncset.done $0x0  }
0x55: {  	s0 =	sadd.s32 s0, s14;
	[sflag:s23] =	ssyncadd.s32 $0xFFFFC000  }
0x56: {  	[tilespmem:s2], [sflag:$0x5] =	stream.linear.gather [hbm4b:s0+s2], $0x80, $0x38;
	[tilespmem:$0x8100] =	vst v63  }
0x57: {  	_ =	swait.ge [sflag:s18], $0x80  }
0x58: {  	[sflag:s18] =	ssyncset.done $0x0  }
.Ltmp0:
0x59: {  	[sflag:s18] =	ssyncadd.s32 $0xFFFFFF80;
	(pc) =	sbr.rel @p0 .LBB2_2-.Ltmp0, $4  }
0x5a: {  	[tilespmem:s20], [sflag:$0x1] =	stream.indirect.gather [hbm4b:s3+s19], $0x80, s2, s19, $0xb8;
	[tilespmem:$0x8100] =	vst v63  }
0x5b: {  	_ =	swait.ge [sflag:s24], $0x4000  }
0x5c: {  	[sflag:s24] =	ssyncset.done $0x0  }
0x5d: {  	s30 =	sadd.s32 $0x1000, s30;
	s29 =	sadd.s32 $0x8000, s29;
	[sflag:s24] =	ssyncadd.s32 $0xFFFFC000  }
0x5e: {  	[hbm4b:s31+s2] =	stream.linear.scatter [tilespmem:s21], [sflag:$0x4], $0x4000, $0x38;
	[tilespmem:$0x8100] =	vst v63  }
0x5f: {  	_ =	swait.ge [sflag:s25], $0x4000  }
0x60: {  	[sflag:s25] =	ssyncset.done $0x0  }
0x61: {  	[sflag:s25] =	ssyncadd.s32 $0xFFFFC000  }
0x62: {  	[tilespmem:s19], [sflag:$0x5] =	stream.linear.gather [hbm4b:s11+s2], $0x80, $0x38;
	[tilespmem:$0x8100] =	vst v63  }
0x63: {  	_ =	swait.ge [sflag:s18], $0x80  }
0x64: {  	[sflag:s18] =	ssyncset.done $0x0  }
0x65: {  	[sflag:s18] =	ssyncadd.s32 $0xFFFFFF80  }
0x66: {  	[tilespmem:s21], [sflag:$0x2] =	stream.indirect.gather [hbm4b:s3+s19], $0x80, s19, s19, $0xb8;
	[tilespmem:$0x8100] =	vst v63  }
0x67: {  	_ =	swait.ge [sflag:s22], $0x4000  }
0x68: {  	[sflag:s22] =	ssyncset.done $0x0  }
0x69: {  	[sflag:s22] =	ssyncadd.s32 $0xFFFFC000  }
0x6a: {  	[hbm4b:s12+s2] =	stream.linear.scatter [tilespmem:s20], [sflag:$0x3], $0x4000, $0x38;
	[tilespmem:$0x8100] =	vst v63  }
0x6b: {  	_ =	swait.ge [sflag:s24], $0x4000  }
0x6c: {  	[sflag:s24] =	ssyncset.done $0x0  }
0x6d: {  	s26 =	sadd.s32 $0x1, s26;
	[sflag:s24] =	ssyncadd.s32 $0xFFFFC000  }
0x6e: {  	[hbm4b:s13+s2] =	stream.linear.scatter [tilespmem:s21], [sflag:$0x4], $0x4000, $0x38;
	[tilespmem:$0x8100] =	vst v63  }
0x6f: {  	p0 =	sne.s32 s26, s6;
	_ =	swait.ge [sflag:s23], $0x4000  }
.Ltmp1:
0x70: {  	[sflag:s23] =	ssyncset.done $0x0;
	(pc) =	sbr.rel @p0 .LBB2_1-.Ltmp1, $4  }
0x71: {  	[sflag:s23] =	ssyncadd.s32 $0xFFFFC000  }
0x72: {  	_ =	swait.ge [sflag:s25], $0x4000  }
0x73: {  	[sflag:s25] =	ssyncset.done $0x0  }
0x74: {  	[sflag:s25] =	ssyncadd.s32 $0xFFFFC000  }
0x75: {  	_ =	sfence.sel $0x180000  }
0x76: {  	[bflag:$0x0] =	sbarrier.arrive $0xFFFF  }
0x77: {  	_ =	strace $0x90000047  }
0x78: {  	s0 =	stileid.u32;
	[bflag:$0x2] =	sbarrier.arrive $0xFFFF  }
0x79: {  	p0 =	sne.s32 s0, $0x0;
	s0 =	rddreg [dreg:$0x1]  }
0x7a: {  	s0 =	sadd.s32 @!p0 $0x100000, s0  }
0x7b: {  	[sflag:s0] =	ssyncadd.tile.s32 @!p0 $0x1;
	_ =	shalt  }
.Lfunc_end2:
_tile_overlayer_lowered:
.L_overlay_start_2:
0x7c: {  	(tag) =	ssettag $0x2  }
0x7d: {  	s0 =	rddreg [dreg:$0x0];
	s2 =	stileid.u32  }
0x7e: {  	s1 =	rddreg [dreg:$0x1];
	p0 =	sne.s32 s2, $0x0  }
0x7f: {  	s3 =	rddreg [dreg:$0x2];
	[bflag:$0x3] =	sbarrier.arrive $0xFFFF;
	s2 =	simm.s32 @!p0 $0x1C05  }
0x80: {  	[timem:s3], [sflag:s2] =	dma.local @!p0 [hbm:s0], s1  }
0x81: {  	s0 =	simm.s32 @!p0 $0x5  }
0x82: {  	_ =	swait.ge @!p0 [sflag:s0], s1  }
0x83: {  	s1 =	ssub.s32 @!p0 $0x0, s1;
	[sflag:s0] =	ssyncset.done @!p0 $0x0  }
0x84: {  	[sflag:s0] =	ssyncadd.s32 @!p0 s1  }
0x85: {  	[bflag:$0x3] =	sbarrier.arrive $0xFFFF  }
0x86: {  	_ =	shalt  }

</sc_bundles>
